<compile_context>
chip_gen: v7x
topology: tpu7x:2x2x1
jax: 0.10.2.dev20260603
libtpu: 0.0.44.dev20260713+nightly
codegen_flags: <defaults>
</compile_context>

<pallas_src>
import functools

import jax
import jax.numpy as jnp
from jax import lax
from jax.experimental import pallas as pl
from jax.experimental.pallas import tpu as pltpu
from jax.experimental.pallas import tpu_sc as plsc

ROWS, COLS = 16384, 1024
NC, NS = 2, 16
NW = NC * NS
RPW = ROWS // NW
LANES = 16
CHUNK = 4
NCHUNK = RPW // CHUNK
NBUF = 8
NITER = NCHUNK // NBUF
VPR = COLS // LANES


def _splat_lane(fvec, lane):
    return lax.gather(
        fvec,
        jnp.full((LANES, 1), lane, jnp.int32),
        lax.GatherDimensionNumbers(
            offset_dims=(), collapsed_slice_dims=(0,), start_index_map=(0,)),
        (1,),
        mode=lax.GatherScatterMode.PROMISE_IN_BOUNDS)


def _sc_body(data_hbm, fac_hbm, out_hbm, in_bufs, out_bufs, fac_v,
             in_sem0, in_sem1, in_sem2, in_sem3,
             in_sem4, in_sem5, in_sem6, in_sem7,
             out_sem0, out_sem1, out_sem2, out_sem3,
             out_sem4, out_sem5, out_sem6, out_sem7):
    in_sems = (in_sem0, in_sem1, in_sem2, in_sem3,
               in_sem4, in_sem5, in_sem6, in_sem7)
    out_sems = (out_sem0, out_sem1, out_sem2, out_sem3,
                out_sem4, out_sem5, out_sem6, out_sem7)
    wid = lax.axis_index("s") * NC + lax.axis_index("c")
    base = wid * RPW
    pltpu.sync_copy(fac_hbm.at[pl.ds(base, RPW)], fac_v.at[pl.ds(0, RPW)])

    def in_copy(b, c):
        rbase = base + c * CHUNK
        return pltpu.make_async_copy(
            data_hbm.at[pl.ds(rbase, CHUNK), :], in_bufs.at[b], in_sems[b])

    def out_copy(b, c):
        rbase = base + c * CHUNK
        return pltpu.make_async_copy(
            out_bufs.at[b], out_hbm.at[pl.ds(rbase, CHUNK), :], out_sems[b])

    def compute(b, c):
        fvec = 1.0 + fac_v[pl.ds(c * CHUNK, LANES)]

        @plsc.parallel_loop(0, CHUNK)
        def _rows(r):
            fsplat = _splat_lane(fvec, r)

            @plsc.parallel_loop(0, COLS, step=LANES, unroll=8)
            def _vecs(o):
                sl = pl.ds(o, LANES)
                out_bufs[b, r, sl] = in_bufs[b, r, sl] * fsplat

    for b in range(NBUF):
        in_copy(b, b).start()

    def iter_body(i, _):
        for b in range(NBUF):
            c = i * NBUF + b
            in_copy(b, c).wait()

            @pl.when(i > 0)
            def _():
                out_copy(b, c - NBUF).wait()

            compute(b, c)

            @pl.when(i < NITER - 1)
            def _():
                in_copy(b, c + NBUF).start()

            out_copy(b, c).start()
        return 0

    lax.fori_loop(0, NITER, iter_body, 0)

    for b in range(NBUF):
        out_copy(b, NCHUNK - NBUF + b).wait()


_sc_call = functools.partial(
    pl.kernel,
    out_type=jax.ShapeDtypeStruct((ROWS, COLS), jnp.float32),
    mesh=plsc.VectorSubcoreMesh(core_axis_name="c", subcore_axis_name="s"),
    scratch_types=[
        pltpu.VMEM((NBUF, CHUNK, COLS), jnp.float32),
        pltpu.VMEM((NBUF, CHUNK, COLS), jnp.float32),
        pltpu.VMEM((RPW + LANES,), jnp.float32),
        pltpu.SemaphoreType.DMA,
        pltpu.SemaphoreType.DMA,
        pltpu.SemaphoreType.DMA,
        pltpu.SemaphoreType.DMA,
        pltpu.SemaphoreType.DMA,
        pltpu.SemaphoreType.DMA,
        pltpu.SemaphoreType.DMA,
        pltpu.SemaphoreType.DMA,
        pltpu.SemaphoreType.DMA,
        pltpu.SemaphoreType.DMA,
        pltpu.SemaphoreType.DMA,
        pltpu.SemaphoreType.DMA,
        pltpu.SemaphoreType.DMA,
        pltpu.SemaphoreType.DMA,
        pltpu.SemaphoreType.DMA,
        pltpu.SemaphoreType.DMA,
    ],
)(_sc_body)


def kernel(data, applied_mask):
    fac = applied_mask.astype(jnp.float32)
    return _sc_call(data, fac)

# --- scband reference (transcript-rebuilt; emitter-appended) ---
"""Pipeline reference for scband-prob-batch-transform-49323404427802 (READ-ONLY COPY).

The authoritative reference and input builder live on the scoring server;
editing this copy changes nothing except your own understanding.
"""

import jax, jax.numpy as jnp
import numpy as np

P = 0.5

def _apply(samples):
    # Concrete stand-in for the abstract apply(): a per-sample elementwise transform
    return samples * 2.0

def setup_inputs(seed: int = 0) -> dict:
    key = jax.random.key(seed)
    k1, k2 = jax.random.split(key)
    data = jax.random.normal(k1, (16384, 1024), dtype=jnp.float32)
    # applied_mask models torch.rand(bs) < p with p=0.5 (precomputed for determinism)
    applied_mask = jax.random.randint(k2, (16384,), 0, 2).astype(bool)
    return {"data": data, "applied_mask": applied_mask}

def reference(data, applied_mask):
    # apply() on every row, then select per-row by the mask; rows where the
    # mask is False keep their original values, rows where it is True receive
    # the transformed values -- identical to gather/apply/scatter by indices.
    applied_samples = _apply(data)
    out = jnp.where(applied_mask[:, None], applied_samples, data)
    return out

if __name__ == "__main__":
    import jax
    _d = setup_inputs()
    print(jax.jit(kernel)(*tuple(_d.values())))

</pallas_src>

<mosaic_0001>
#map = affine_map<(d0, d1) -> (0, 0)>
#map1 = affine_map<(d0, d1) -> (0)>
module attributes {stable_mosaic.version = 14 : i64} {
  func.func @_sc_body(%arg0: i32, %arg1: i32, %arg2: memref<16384x1024xf32, #tpu.memory_space<hbm>>, %arg3: memref<16384xf32, #tpu.memory_space<hbm>>, %arg4: memref<16384x1024xf32, #tpu.memory_space<hbm>>, %arg5: memref<8x4x1024xf32, #tpu.memory_space<vmem>>, %arg6: memref<8x4x1024xf32, #tpu.memory_space<vmem>>, %arg7: memref<528xf32, #tpu.memory_space<vmem>>, %arg8: memref<!tpu.dma_semaphore, #tpu.memory_space<semaphore_mem>>, %arg9: memref<!tpu.dma_semaphore, #tpu.memory_space<semaphore_mem>>, %arg10: memref<!tpu.dma_semaphore, #tpu.memory_space<semaphore_mem>>, %arg11: memref<!tpu.dma_semaphore, #tpu.memory_space<semaphore_mem>>, %arg12: memref<!tpu.dma_semaphore, #tpu.memory_space<semaphore_mem>>, %arg13: memref<!tpu.dma_semaphore, #tpu.memory_space<semaphore_mem>>, %arg14: memref<!tpu.dma_semaphore, #tpu.memory_space<semaphore_mem>>, %arg15: memref<!tpu.dma_semaphore, #tpu.memory_space<semaphore_mem>>, %arg16: memref<!tpu.dma_semaphore, #tpu.memory_space<semaphore_mem>>, %arg17: memref<!tpu.dma_semaphore, #tpu.memory_space<semaphore_mem>>, %arg18: memref<!tpu.dma_semaphore, #tpu.memory_space<semaphore_mem>>, %arg19: memref<!tpu.dma_semaphore, #tpu.memory_space<semaphore_mem>>, %arg20: memref<!tpu.dma_semaphore, #tpu.memory_space<semaphore_mem>>, %arg21: memref<!tpu.dma_semaphore, #tpu.memory_space<semaphore_mem>>, %arg22: memref<!tpu.dma_semaphore, #tpu.memory_space<semaphore_mem>>, %arg23: memref<!tpu.dma_semaphore, #tpu.memory_space<semaphore_mem>>) attributes {dimension_semantics = [#tpu.dimension_semantics<core_parallel>, #tpu.dimension_semantics<subcore_parallel>], iteration_bounds = array<i64: 2, 16>, scalar_prefetch = 0 : i64, scratch_operands = 19 : i64, tpu.core_type = #tpu.core_type<sc_vector_subcore>, window_params = [{transform_indices = #map}, {transform_indices = #map1}, {transform_indices = #map}]} {
    %mul3A = arith.constant 2 : i32
    %mul3A_0 = arith.muli %arg1, %mul3A : i32
    %add3A = arith.addi %mul3A_0, %arg0 : i32
    %mul3A_1 = arith.constant 512 : i32
    %mul3A_2 = arith.muli %add3A, %mul3A_1 : i32
    "tpu.region"() ({
      %run_scoped3A = tpu.sem_alloc : memref<!tpu.dma_semaphore, #tpu.memory_space<semaphore_mem>>
      %dma_start3A_247 = arith.constant 0 : i32
      %dma_start3A_248 = tpu.memref_slice %arg7[%dma_start3A_247] : memref<528xf32, #tpu.memory_space<vmem>> -> memref<512xf32, #tpu.memory_space<vmem>>
      %dma_start3A_249 = tpu.memref_slice %arg3[%mul3A_2] : memref<16384xf32, #tpu.memory_space<hbm>> -> memref<512xf32, #tpu.memory_space<hbm>>
      %dma_start3A_250 = arith.constant 0 : i32
      %dma_start3A_251 = tpu.memref_slice %arg7[%dma_start3A_250] : memref<528xf32, #tpu.memory_space<vmem>> -> memref<512xf32, #tpu.memory_space<vmem>>
      %dma_start3A_252 = tpu.memref_slice %arg3[%mul3A_2] : memref<16384xf32, #tpu.memory_space<hbm>> -> memref<512xf32, #tpu.memory_space<hbm>>
      tpu.enqueue_dma source(%dma_start3A_252 : memref<512xf32, #tpu.memory_space<hbm>>) target(%dma_start3A_251 : memref<512xf32, #tpu.memory_space<vmem>>) target_semaphore(%run_scoped3A : memref<!tpu.dma_semaphore, #tpu.memory_space<semaphore_mem>>)
      %dma_wait3A_253 = arith.constant 0 : i32
      %dma_wait3A_254 = tpu.memref_slice %arg7[%dma_wait3A_253] : memref<528xf32, #tpu.memory_space<vmem>> -> memref<512xf32, #tpu.memory_space<vmem>>
      %dma_wait3A_255 = tpu.memref_slice %arg3[%mul3A_2] : memref<16384xf32, #tpu.memory_space<hbm>> -> memref<512xf32, #tpu.memory_space<hbm>>
      %dma_wait3A_256 = arith.constant 0 : i32
      %dma_wait3A_257 = tpu.memref_slice %arg7[%dma_wait3A_256] : memref<528xf32, #tpu.memory_space<vmem>> -> memref<512xf32, #tpu.memory_space<vmem>>
      %dma_wait3A_258 = tpu.memref_slice %arg3[%mul3A_2] : memref<16384xf32, #tpu.memory_space<hbm>> -> memref<512xf32, #tpu.memory_space<hbm>>
      tpu.wait_dma2 semaphore(%run_scoped3A : memref<!tpu.dma_semaphore, #tpu.memory_space<semaphore_mem>>) src(%dma_wait3A_258 : memref<512xf32, #tpu.memory_space<hbm>>) dst(%dma_wait3A_257 : memref<512xf32, #tpu.memory_space<vmem>>)
      tpu.yield
    }) : () -> ()
    %add3A_3 = arith.constant 0 : i32
    %add3A_4 = arith.addi %mul3A_2, %add3A_3 : i32
    %dma_start3A = arith.constant 0 : i32
    %dma_start3A_5 = arith.constant 0 : i32
    %dma_start3A_6 = arith.constant 0 : i32
    %dma_start3A_7 = tpu.memref_slice %arg5[%dma_start3A, %dma_start3A_5, %dma_start3A_6] : memref<8x4x1024xf32, #tpu.memory_space<vmem>> -> memref<1x4x1024xf32, #tpu.memory_space<vmem>>
    %dma_start3A_8 = tpu.memref_squeeze %dma_start3A_7 : memref<1x4x1024xf32, #tpu.memory_space<vmem>> -> memref<4x1024xf32, #tpu.memory_space<vmem>>
    %dma_start3A_9 = arith.constant 0 : i32
    %dma_start3A_10 = tpu.memref_slice %arg2[%add3A_4, %dma_start3A_9] : memref<16384x1024xf32, #tpu.memory_space<hbm>> -> memref<4x1024xf32, #tpu.memory_space<hbm>>
    %dma_start3A_11 = arith.constant 0 : i32
    %dma_start3A_12 = arith.constant 0 : i32
    %dma_start3A_13 = tpu.memref_slice %arg5[%dma_start3A, %dma_start3A_11, %dma_start3A_12] : memref<8x4x1024xf32, #tpu.memory_space<vmem>> -> memref<1x4x1024xf32, #tpu.memory_space<vmem>>
    %dma_start3A_14 = tpu.memref_squeeze %dma_start3A_13 : memref<1x4x1024xf32, #tpu.memory_space<vmem>> -> memref<4x1024xf32, #tpu.memory_space<vmem>>
    %dma_start3A_15 = arith.constant 0 : i32
    %dma_start3A_16 = tpu.memref_slice %arg2[%add3A_4, %dma_start3A_15] : memref<16384x1024xf32, #tpu.memory_space<hbm>> -> memref<4x1024xf32, #tpu.memory_space<hbm>>
    tpu.enqueue_dma source(%dma_start3A_16 : memref<4x1024xf32, #tpu.memory_space<hbm>>) target(%dma_start3A_14 : memref<4x1024xf32, #tpu.memory_space<vmem>>) target_semaphore(%arg8 : memref<!tpu.dma_semaphore, #tpu.memory_space<semaphore_mem>>)
    %add3A_17 = arith.constant 4 : i32
    %add3A_18 = arith.addi %mul3A_2, %add3A_17 : i32
    %dma_start3A_19 = arith.constant 1 : i32
    %dma_start3A_20 = arith.constant 0 : i32
    %dma_start3A_21 = arith.constant 0 : i32
    %dma_start3A_22 = tpu.memref_slice %arg5[%dma_start3A_19, %dma_start3A_20, %dma_start3A_21] : memref<8x4x1024xf32, #tpu.memory_space<vmem>> -> memref<1x4x1024xf32, #tpu.memory_space<vmem>>
    %dma_start3A_23 = tpu.memref_squeeze %dma_start3A_22 : memref<1x4x1024xf32, #tpu.memory_space<vmem>> -> memref<4x1024xf32, #tpu.memory_space<vmem>>
    %dma_start3A_24 = arith.constant 0 : i32
    %dma_start3A_25 = tpu.memref_slice %arg2[%add3A_18, %dma_start3A_24] : memref<16384x1024xf32, #tpu.memory_space<hbm>> -> memref<4x1024xf32, #tpu.memory_space<hbm>>
    %dma_start3A_26 = arith.constant 0 : i32
    %dma_start3A_27 = arith.constant 0 : i32
    %dma_start3A_28 = tpu.memref_slice %arg5[%dma_start3A_19, %dma_start3A_26, %dma_start3A_27] : memref<8x4x1024xf32, #tpu.memory_space<vmem>> -> memref<1x4x1024xf32, #tpu.memory_space<vmem>>
    %dma_start3A_29 = tpu.memref_squeeze %dma_start3A_28 : memref<1x4x1024xf32, #tpu.memory_space<vmem>> -> memref<4x1024xf32, #tpu.memory_space<vmem>>
    %dma_start3A_30 = arith.constant 0 : i32
    %dma_start3A_31 = tpu.memref_slice %arg2[%add3A_18, %dma_start3A_30] : memref<16384x1024xf32, #tpu.memory_space<hbm>> -> memref<4x1024xf32, #tpu.memory_space<hbm>>
    tpu.enqueue_dma source(%dma_start3A_31 : memref<4x1024xf32, #tpu.memory_space<hbm>>) target(%dma_start3A_29 : memref<4x1024xf32, #tpu.memory_space<vmem>>) target_semaphore(%arg9 : memref<!tpu.dma_semaphore, #tpu.memory_space<semaphore_mem>>)
    %add3A_32 = arith.constant 8 : i32
    %add3A_33 = arith.addi %mul3A_2, %add3A_32 : i32
    %dma_start3A_34 = arith.constant 2 : i32
    %dma_start3A_35 = arith.constant 0 : i32
    %dma_start3A_36 = arith.constant 0 : i32
    %dma_start3A_37 = tpu.memref_slice %arg5[%dma_start3A_34, %dma_start3A_35, %dma_start3A_36] : memref<8x4x1024xf32, #tpu.memory_space<vmem>> -> memref<1x4x1024xf32, #tpu.memory_space<vmem>>
    %dma_start3A_38 = tpu.memref_squeeze %dma_start3A_37 : memref<1x4x1024xf32, #tpu.memory_space<vmem>> -> memref<4x1024xf32, #tpu.memory_space<vmem>>
    %dma_start3A_39 = arith.constant 0 : i32
    %dma_start3A_40 = tpu.memref_slice %arg2[%add3A_33, %dma_start3A_39] : memref<16384x1024xf32, #tpu.memory_space<hbm>> -> memref<4x1024xf32, #tpu.memory_space<hbm>>
    %dma_start3A_41 = arith.constant 0 : i32
    %dma_start3A_42 = arith.constant 0 : i32
    %dma_start3A_43 = tpu.memref_slice %arg5[%dma_start3A_34, %dma_start3A_41, %dma_start3A_42] : memref<8x4x1024xf32, #tpu.memory_space<vmem>> -> memref<1x4x1024xf32, #tpu.memory_space<vmem>>
    %dma_start3A_44 = tpu.memref_squeeze %dma_start3A_43 : memref<1x4x1024xf32, #tpu.memory_space<vmem>> -> memref<4x1024xf32, #tpu.memory_space<vmem>>
    %dma_start3A_45 = arith.constant 0 : i32
    %dma_start3A_46 = tpu.memref_slice %arg2[%add3A_33, %dma_start3A_45] : memref<16384x1024xf32, #tpu.memory_space<hbm>> -> memref<4x1024xf32, #tpu.memory_space<hbm>>
    tpu.enqueue_dma source(%dma_start3A_46 : memref<4x1024xf32, #tpu.memory_space<hbm>>) target(%dma_start3A_44 : memref<4x1024xf32, #tpu.memory_space<vmem>>) target_semaphore(%arg10 : memref<!tpu.dma_semaphore, #tpu.memory_space<semaphore_mem>>)
    %add3A_47 = arith.constant 12 : i32
    %add3A_48 = arith.addi %mul3A_2, %add3A_47 : i32
    %dma_start3A_49 = arith.constant 3 : i32
    %dma_start3A_50 = arith.constant 0 : i32
    %dma_start3A_51 = arith.constant 0 : i32
    %dma_start3A_52 = tpu.memref_slice %arg5[%dma_start3A_49, %dma_start3A_50, %dma_start3A_51] : memref<8x4x1024xf32, #tpu.memory_space<vmem>> -> memref<1x4x1024xf32, #tpu.memory_space<vmem>>
    %dma_start3A_53 = tpu.memref_squeeze %dma_start3A_52 : memref<1x4x1024xf32, #tpu.memory_space<vmem>> -> memref<4x1024xf32, #tpu.memory_space<vmem>>
    %dma_start3A_54 = arith.constant 0 : i32
    %dma_start3A_55 = tpu.memref_slice %arg2[%add3A_48, %dma_start3A_54] : memref<16384x1024xf32, #tpu.memory_space<hbm>> -> memref<4x1024xf32, #tpu.memory_space<hbm>>
    %dma_start3A_56 = arith.constant 0 : i32
    %dma_start3A_57 = arith.constant 0 : i32
    %dma_start3A_58 = tpu.memref_slice %arg5[%dma_start3A_49, %dma_start3A_56, %dma_start3A_57] : memref<8x4x1024xf32, #tpu.memory_space<vmem>> -> memref<1x4x1024xf32, #tpu.memory_space<vmem>>
    %dma_start3A_59 = tpu.memref_squeeze %dma_start3A_58 : memref<1x4x1024xf32, #tpu.memory_space<vmem>> -> memref<4x1024xf32, #tpu.memory_space<vmem>>
    %dma_start3A_60 = arith.constant 0 : i32
    %dma_start3A_61 = tpu.memref_slice %arg2[%add3A_48, %dma_start3A_60] : memref<16384x1024xf32, #tpu.memory_space<hbm>> -> memref<4x1024xf32, #tpu.memory_space<hbm>>
    tpu.enqueue_dma source(%dma_start3A_61 : memref<4x1024xf32, #tpu.memory_space<hbm>>) target(%dma_start3A_59 : memref<4x1024xf32, #tpu.memory_space<vmem>>) target_semaphore(%arg11 : memref<!tpu.dma_semaphore, #tpu.memory_space<semaphore_mem>>)
    %add3A_62 = arith.constant 16 : i32
    %add3A_63 = arith.addi %mul3A_2, %add3A_62 : i32
    %dma_start3A_64 = arith.constant 4 : i32
    %dma_start3A_65 = arith.constant 0 : i32
    %dma_start3A_66 = arith.constant 0 : i32
    %dma_start3A_67 = tpu.memref_slice %arg5[%dma_start3A_64, %dma_start3A_65, %dma_start3A_66] : memref<8x4x1024xf32, #tpu.memory_space<vmem>> -> memref<1x4x1024xf32, #tpu.memory_space<vmem>>
    %dma_start3A_68 = tpu.memref_squeeze %dma_start3A_67 : memref<1x4x1024xf32, #tpu.memory_space<vmem>> -> memref<4x1024xf32, #tpu.memory_space<vmem>>
    %dma_start3A_69 = arith.constant 0 : i32
    %dma_start3A_70 = tpu.memref_slice %arg2[%add3A_63, %dma_start3A_69] : memref<16384x1024xf32, #tpu.memory_space<hbm>> -> memref<4x1024xf32, #tpu.memory_space<hbm>>
    %dma_start3A_71 = arith.constant 0 : i32
    %dma_start3A_72 = arith.constant 0 : i32
    %dma_start3A_73 = tpu.memref_slice %arg5[%dma_start3A_64, %dma_start3A_71, %dma_start3A_72] : memref<8x4x1024xf32, #tpu.memory_space<vmem>> -> memref<1x4x1024xf32, #tpu.memory_space<vmem>>
    %dma_start3A_74 = tpu.memref_squeeze %dma_start3A_73 : memref<1x4x1024xf32, #tpu.memory_space<vmem>> -> memref<4x1024xf32, #tpu.memory_space<vmem>>
    %dma_start3A_75 = arith.constant 0 : i32
    %dma_start3A_76 = tpu.memref_slice %arg2[%add3A_63, %dma_start3A_75] : memref<16384x1024xf32, #tpu.memory_space<hbm>> -> memref<4x1024xf32, #tpu.memory_space<hbm>>
    tpu.enqueue_dma source(%dma_start3A_76 : memref<4x1024xf32, #tpu.memory_space<hbm>>) target(%dma_start3A_74 : memref<4x1024xf32, #tpu.memory_space<vmem>>) target_semaphore(%arg12 : memref<!tpu.dma_semaphore, #tpu.memory_space<semaphore_mem>>)
    %add3A_77 = arith.constant 20 : i32
    %add3A_78 = arith.addi %mul3A_2, %add3A_77 : i32
    %dma_start3A_79 = arith.constant 5 : i32
    %dma_start3A_80 = arith.constant 0 : i32
    %dma_start3A_81 = arith.constant 0 : i32
    %dma_start3A_82 = tpu.memref_slice %arg5[%dma_start3A_79, %dma_start3A_80, %dma_start3A_81] : memref<8x4x1024xf32, #tpu.memory_space<vmem>> -> memref<1x4x1024xf32, #tpu.memory_space<vmem>>
    %dma_start3A_83 = tpu.memref_squeeze %dma_start3A_82 : memref<1x4x1024xf32, #tpu.memory_space<vmem>> -> memref<4x1024xf32, #tpu.memory_space<vmem>>
    %dma_start3A_84 = arith.constant 0 : i32
    %dma_start3A_85 = tpu.memref_slice %arg2[%add3A_78, %dma_start3A_84] : memref<16384x1024xf32, #tpu.memory_space<hbm>> -> memref<4x1024xf32, #tpu.memory_space<hbm>>
    %dma_start3A_86 = arith.constant 0 : i32
    %dma_start3A_87 = arith.constant 0 : i32
    %dma_start3A_88 = tpu.memref_slice %arg5[%dma_start3A_79, %dma_start3A_86, %dma_start3A_87] : memref<8x4x1024xf32, #tpu.memory_space<vmem>> -> memref<1x4x1024xf32, #tpu.memory_space<vmem>>
    %dma_start3A_89 = tpu.memref_squeeze %dma_start3A_88 : memref<1x4x1024xf32, #tpu.memory_space<vmem>> -> memref<4x1024xf32, #tpu.memory_space<vmem>>
    %dma_start3A_90 = arith.constant 0 : i32
    %dma_start3A_91 = tpu.memref_slice %arg2[%add3A_78, %dma_start3A_90] : memref<16384x1024xf32, #tpu.memory_space<hbm>> -> memref<4x1024xf32, #tpu.memory_space<hbm>>
    tpu.enqueue_dma source(%dma_start3A_91 : memref<4x1024xf32, #tpu.memory_space<hbm>>) target(%dma_start3A_89 : memref<4x1024xf32, #tpu.memory_space<vmem>>) target_semaphore(%arg13 : memref<!tpu.dma_semaphore, #tpu.memory_space<semaphore_mem>>)
    %add3A_92 = arith.constant 24 : i32
    %add3A_93 = arith.addi %mul3A_2, %add3A_92 : i32
    %dma_start3A_94 = arith.constant 6 : i32
    %dma_start3A_95 = arith.constant 0 : i32
    %dma_start3A_96 = arith.constant 0 : i32
    %dma_start3A_97 = tpu.memref_slice %arg5[%dma_start3A_94, %dma_start3A_95, %dma_start3A_96] : memref<8x4x1024xf32, #tpu.memory_space<vmem>> -> memref<1x4x1024xf32, #tpu.memory_space<vmem>>
    %dma_start3A_98 = tpu.memref_squeeze %dma_start3A_97 : memref<1x4x1024xf32, #tpu.memory_space<vmem>> -> memref<4x1024xf32, #tpu.memory_space<vmem>>
    %dma_start3A_99 = arith.constant 0 : i32
    %dma_start3A_100 = tpu.memref_slice %arg2[%add3A_93, %dma_start3A_99] : memref<16384x1024xf32, #tpu.memory_space<hbm>> -> memref<4x1024xf32, #tpu.memory_space<hbm>>
    %dma_start3A_101 = arith.constant 0 : i32
    %dma_start3A_102 = arith.constant 0 : i32
    %dma_start3A_103 = tpu.memref_slice %arg5[%dma_start3A_94, %dma_start3A_101, %dma_start3A_102] : memref<8x4x1024xf32, #tpu.memory_space<vmem>> -> memref<1x4x1024xf32, #tpu.memory_space<vmem>>
    %dma_start3A_104 = tpu.memref_squeeze %dma_start3A_103 : memref<1x4x1024xf32, #tpu.memory_space<vmem>> -> memref<4x1024xf32, #tpu.memory_space<vmem>>
    %dma_start3A_105 = arith.constant 0 : i32
    %dma_start3A_106 = tpu.memref_slice %arg2[%add3A_93, %dma_start3A_105] : memref<16384x1024xf32, #tpu.memory_space<hbm>> -> memref<4x1024xf32, #tpu.memory_space<hbm>>
    tpu.enqueue_dma source(%dma_start3A_106 : memref<4x1024xf32, #tpu.memory_space<hbm>>) target(%dma_start3A_104 : memref<4x1024xf32, #tpu.memory_space<vmem>>) target_semaphore(%arg14 : memref<!tpu.dma_semaphore, #tpu.memory_space<semaphore_mem>>)
    %add3A_107 = arith.constant 28 : i32
    %add3A_108 = arith.addi %mul3A_2, %add3A_107 : i32
    %dma_start3A_109 = arith.constant 7 : i32
    %dma_start3A_110 = arith.constant 0 : i32
    %dma_start3A_111 = arith.constant 0 : i32
    %dma_start3A_112 = tpu.memref_slice %arg5[%dma_start3A_109, %dma_start3A_110, %dma_start3A_111] : memref<8x4x1024xf32, #tpu.memory_space<vmem>> -> memref<1x4x1024xf32, #tpu.memory_space<vmem>>
    %dma_start3A_113 = tpu.memref_squeeze %dma_start3A_112 : memref<1x4x1024xf32, #tpu.memory_space<vmem>> -> memref<4x1024xf32, #tpu.memory_space<vmem>>
    %dma_start3A_114 = arith.constant 0 : i32
    %dma_start3A_115 = tpu.memref_slice %arg2[%add3A_108, %dma_start3A_114] : memref<16384x1024xf32, #tpu.memory_space<hbm>> -> memref<4x1024xf32, #tpu.memory_space<hbm>>
    %dma_start3A_116 = arith.constant 0 : i32
    %dma_start3A_117 = arith.constant 0 : i32
    %dma_start3A_118 = tpu.memref_slice %arg5[%dma_start3A_109, %dma_start3A_116, %dma_start3A_117] : memref<8x4x1024xf32, #tpu.memory_space<vmem>> -> memref<1x4x1024xf32, #tpu.memory_space<vmem>>
    %dma_start3A_119 = tpu.memref_squeeze %dma_start3A_118 : memref<1x4x1024xf32, #tpu.memory_space<vmem>> -> memref<4x1024xf32, #tpu.memory_space<vmem>>
    %dma_start3A_120 = arith.constant 0 : i32
    %dma_start3A_121 = tpu.memref_slice %arg2[%add3A_108, %dma_start3A_120] : memref<16384x1024xf32, #tpu.memory_space<hbm>> -> memref<4x1024xf32, #tpu.memory_space<hbm>>
    tpu.enqueue_dma source(%dma_start3A_121 : memref<4x1024xf32, #tpu.memory_space<hbm>>) target(%dma_start3A_119 : memref<4x1024xf32, #tpu.memory_space<vmem>>) target_semaphore(%arg15 : memref<!tpu.dma_semaphore, #tpu.memory_space<semaphore_mem>>)
    %scan3A = arith.constant 0 : i32
    %scan3A_122 = arith.constant 0 : i32
    %scan3A_123 = arith.constant 16 : i32
    %scan3A_124 = arith.addi %scan3A_122, %scan3A_123 : i32
    %scan3A_125 = arith.constant 1 : i32
    %scan3A_126 = scf.for %scan3A_247 = %scan3A_122 to %scan3A_124 step %scan3A_125 iter_args(%scan3A_248 = %scan3A) -> (i32)  : i32 {
      %mul3A_249 = arith.constant 8 : i32
      %mul3A_250 = arith.muli %scan3A_247, %mul3A_249 : i32
      %add3A_251 = arith.constant 0 : i32
      %add3A_252 = arith.addi %mul3A_250, %add3A_251 : i32
      %mul3A_253 = arith.constant 4 : i32
      %mul3A_254 = arith.muli %add3A_252, %mul3A_253 : i32
      %add3A_255 = arith.addi %mul3A_2, %mul3A_254 : i32
      %dma_wait3A_256 = arith.constant 0 : i32
      %dma_wait3A_257 = arith.constant 0 : i32
      %dma_wait3A_258 = arith.constant 0 : i32
      %dma_wait3A_259 = tpu.memref_slice %arg5[%dma_wait3A_256, %dma_wait3A_257, %dma_wait3A_258] : memref<8x4x1024xf32, #tpu.memory_space<vmem>> -> memref<1x4x1024xf32, #tpu.memory_space<vmem>>
      %dma_wait3A_260 = tpu.memref_squeeze %dma_wait3A_259 : memref<1x4x1024xf32, #tpu.memory_space<vmem>> -> memref<4x1024xf32, #tpu.memory_space<vmem>>
      %dma_wait3A_261 = arith.constant 0 : i32
      %dma_wait3A_262 = tpu.memref_slice %arg2[%add3A_255, %dma_wait3A_261] : memref<16384x1024xf32, #tpu.memory_space<hbm>> -> memref<4x1024xf32, #tpu.memory_space<hbm>>
      %dma_wait3A_263 = arith.constant 0 : i32
      %dma_wait3A_264 = arith.constant 0 : i32
      %dma_wait3A_265 = tpu.memref_slice %arg5[%dma_wait3A_256, %dma_wait3A_263, %dma_wait3A_264] : memref<8x4x1024xf32, #tpu.memory_space<vmem>> -> memref<1x4x1024xf32, #tpu.memory_space<vmem>>
      %dma_wait3A_266 = tpu.memref_squeeze %dma_wait3A_265 : memref<1x4x1024xf32, #tpu.memory_space<vmem>> -> memref<4x1024xf32, #tpu.memory_space<vmem>>
      %dma_wait3A_267 = arith.constant 0 : i32
      %dma_wait3A_268 = tpu.memref_slice %arg2[%add3A_255, %dma_wait3A_267] : memref<16384x1024xf32, #tpu.memory_space<hbm>> -> memref<4x1024xf32, #tpu.memory_space<hbm>>
      tpu.wait_dma2 semaphore(%arg8 : memref<!tpu.dma_semaphore, #tpu.memory_space<semaphore_mem>>) src(%dma_wait3A_268 : memref<4x1024xf32, #tpu.memory_space<hbm>>) dst(%dma_wait3A_266 : memref<4x1024xf32, #tpu.memory_space<vmem>>)
      %gt3A = arith.constant 0 : i32
      %gt3A_269 = arith.cmpi sgt, %scan3A_247, %gt3A : i32
      %convert_element_type3A = arith.extui %gt3A_269 : i1 to i32
      %cond3A = arith.constant 0 : i32
      %cond3A_270 = arith.cmpi ne, %convert_element_type3A, %cond3A : i32
      scf.if %cond3A_270 {
        %sub3A = arith.constant 8 : i32
        %sub3A_700 = arith.subi %add3A_252, %sub3A : i32
        %mul3A_701 = arith.constant 4 : i32
        %mul3A_702 = arith.muli %sub3A_700, %mul3A_701 : i32
        %add3A_703 = arith.addi %mul3A_2, %mul3A_702 : i32
        %dma_wait3A_704 = arith.constant 0 : i32
        %dma_wait3A_705 = arith.constant 0 : i32
        %dma_wait3A_706 = arith.constant 0 : i32
        %dma_wait3A_707 = tpu.memref_slice %arg6[%dma_wait3A_704, %dma_wait3A_705, %dma_wait3A_706] : memref<8x4x1024xf32, #tpu.memory_space<vmem>> -> memref<1x4x1024xf32, #tpu.memory_space<vmem>>
        %dma_wait3A_708 = tpu.memref_squeeze %dma_wait3A_707 : memref<1x4x1024xf32, #tpu.memory_space<vmem>> -> memref<4x1024xf32, #tpu.memory_space<vmem>>
        %dma_wait3A_709 = arith.constant 0 : i32
        %dma_wait3A_710 = tpu.memref_slice %arg4[%add3A_703, %dma_wait3A_709] : memref<16384x1024xf32, #tpu.memory_space<hbm>> -> memref<4x1024xf32, #tpu.memory_space<hbm>>
        %dma_wait3A_711 = arith.constant 0 : i32
        %dma_wait3A_712 = tpu.memref_slice %arg4[%add3A_703, %dma_wait3A_711] : memref<16384x1024xf32, #tpu.memory_space<hbm>> -> memref<4x1024xf32, #tpu.memory_space<hbm>>
        %dma_wait3A_713 = arith.constant 0 : i32
        %dma_wait3A_714 = arith.constant 0 : i32
        %dma_wait3A_715 = tpu.memref_slice %arg6[%dma_wait3A_704, %dma_wait3A_713, %dma_wait3A_714] : memref<8x4x1024xf32, #tpu.memory_space<vmem>> -> memref<1x4x1024xf32, #tpu.memory_space<vmem>>
        %dma_wait3A_716 = tpu.memref_squeeze %dma_wait3A_715 : memref<1x4x1024xf32, #tpu.memory_space<vmem>> -> memref<4x1024xf32, #tpu.memory_space<vmem>>
        tpu.wait_dma2 semaphore(%arg16 : memref<!tpu.dma_semaphore, #tpu.memory_space<semaphore_mem>>) src(%dma_wait3A_716 : memref<4x1024xf32, #tpu.memory_space<vmem>>) dst(%dma_wait3A_712 : memref<4x1024xf32, #tpu.memory_space<hbm>>)
      } else {
      }
      %mul3A_271 = arith.constant 4 : i32
      %mul3A_272 = arith.muli %add3A_252, %mul3A_271 : i32
      %get3A = arith.index_cast %mul3A_272 : i32 to index
      %get3A_273 = tpu.vector_load %arg7[%get3A] {strides = array<i32>} : memref<528xf32, #tpu.memory_space<vmem>>, vector<16xf32>,
      %get3A_274 = vector.shape_cast %get3A_273 : vector<16xf32> to vector<16xf32>
      %add3A_275 = arith.constant 1.000000e+00 : f32
      %add3A_276 = vector.broadcast %add3A_275 : f32 to vector<16xf32>
      %add3A_277 = arith.addf %add3A_276, %get3A_274 : vector<16xf32>
      %parallel_loop3A = arith.constant 0 : i32
      %parallel_loop3A_278 = arith.constant 4 : i32
      %parallel_loop3A_279 = arith.constant 1 : i32
      scf.for %parallel_loop3A_700 = %parallel_loop3A to %parallel_loop3A_278 step %parallel_loop3A_279  : i32 {
        %parallel_loop3A_701 = vector.broadcast %parallel_loop3A_700 : i32 to vector<16x1xi32>
        %parallel_loop3A_702 = vector.shape_cast %parallel_loop3A_701 : vector<16x1xi32> to vector<16xi32>
        %parallel_loop3A_703 = tpu.dynamic_gather %add3A_277[%parallel_loop3A_702] in [0] : vector<16xf32>, vector<16xi32> -> vector<16xf32>
        %parallel_loop3A_704 = arith.constant 0 : i32
        %parallel_loop3A_705 = arith.constant 1024 : i32
        %parallel_loop3A_706 = arith.constant 16 : i32
        scf.for %parallel_loop3A_707 = %parallel_loop3A_704 to %parallel_loop3A_705 step %parallel_loop3A_706  : i32 {
          %parallel_loop3A_708 = arith.constant 0 : i32
          %parallel_loop3A_709 = arith.index_cast %parallel_loop3A_708 : i32 to index
          %parallel_loop3A_710 = arith.index_cast %parallel_loop3A_700 : i32 to index
          %parallel_loop3A_711 = arith.index_cast %parallel_loop3A_707 : i32 to index
          %parallel_loop3A_712 = tpu.vector_load %arg5[%parallel_loop3A_709, %parallel_loop3A_710, %parallel_loop3A_711] {strides = array<i32>} : memref<8x4x1024xf32, #tpu.memory_space<vmem>>, vector<1x1x16xf32>,
          %parallel_loop3A_713 = vector.shape_cast %parallel_loop3A_712 : vector<1x1x16xf32> to vector<16xf32>
          %parallel_loop3A_714 = arith.mulf %parallel_loop3A_713, %parallel_loop3A_703 : vector<16xf32>
          %parallel_loop3A_715 = arith.constant 0 : i32
          %parallel_loop3A_716 = arith.index_cast %parallel_loop3A_715 : i32 to index
          %parallel_loop3A_717 = arith.index_cast %parallel_loop3A_700 : i32 to index
          %parallel_loop3A_718 = arith.index_cast %parallel_loop3A_707 : i32 to index
          %parallel_loop3A_719 = tpu.vector_load %arg6[%parallel_loop3A_716, %parallel_loop3A_717, %parallel_loop3A_718] {strides = array<i32>} : memref<8x4x1024xf32, #tpu.memory_space<vmem>>, vector<1x1x16xf32>,
          %parallel_loop3A_720 = vector.shape_cast %parallel_loop3A_719 : vector<1x1x16xf32> to vector<16xf32>
          %parallel_loop3A_721 = vector.shape_cast %parallel_loop3A_714 : vector<16xf32> to vector<1x1x16xf32>
          tpu.vector_store %arg6[%parallel_loop3A_716, %parallel_loop3A_717, %parallel_loop3A_718], %parallel_loop3A_721 {strides = array<i32>} : memref<8x4x1024xf32, #tpu.memory_space<vmem>>, vector<1x1x16xf32>,
        } {sc.loop_unroll_factor = 8 : i64, sc.parallel_access}
      } {sc.loop_unroll_factor = 1 : i64, sc.parallel_access}
      %lt3A = arith.constant 15 : i32
      %lt3A_280 = arith.cmpi slt, %scan3A_247, %lt3A : i32
      %convert_element_type3A_281 = arith.extui %lt3A_280 : i1 to i32
      %cond3A_282 = arith.constant 0 : i32
      %cond3A_283 = arith.cmpi ne, %convert_element_type3A_281, %cond3A_282 : i32
      scf.if %cond3A_283 {
        %add3A_700 = arith.constant 8 : i32
        %add3A_701 = arith.addi %add3A_252, %add3A_700 : i32
        %mul3A_702 = arith.constant 4 : i32
        %mul3A_703 = arith.muli %add3A_701, %mul3A_702 : i32
        %add3A_704 = arith.addi %mul3A_2, %mul3A_703 : i32
        %dma_start3A_705 = arith.constant 0 : i32
        %dma_start3A_706 = arith.constant 0 : i32
        %dma_start3A_707 = arith.constant 0 : i32
        %dma_start3A_708 = tpu.memref_slice %arg5[%dma_start3A_705, %dma_start3A_706, %dma_start3A_707] : memref<8x4x1024xf32, #tpu.memory_space<vmem>> -> memref<1x4x1024xf32, #tpu.memory_space<vmem>>
        %dma_start3A_709 = tpu.memref_squeeze %dma_start3A_708 : memref<1x4x1024xf32, #tpu.memory_space<vmem>> -> memref<4x1024xf32, #tpu.memory_space<vmem>>
        %dma_start3A_710 = arith.constant 0 : i32
        %dma_start3A_711 = tpu.memref_slice %arg2[%add3A_704, %dma_start3A_710] : memref<16384x1024xf32, #tpu.memory_space<hbm>> -> memref<4x1024xf32, #tpu.memory_space<hbm>>
        %dma_start3A_712 = arith.constant 0 : i32
        %dma_start3A_713 = arith.constant 0 : i32
        %dma_start3A_714 = tpu.memref_slice %arg5[%dma_start3A_705, %dma_start3A_712, %dma_start3A_713] : memref<8x4x1024xf32, #tpu.memory_space<vmem>> -> memref<1x4x1024xf32, #tpu.memory_space<vmem>>
        %dma_start3A_715 = tpu.memref_squeeze %dma_start3A_714 : memref<1x4x1024xf32, #tpu.memory_space<vmem>> -> memref<4x1024xf32, #tpu.memory_space<vmem>>
        %dma_start3A_716 = arith.constant 0 : i32
        %dma_start3A_717 = tpu.memref_slice %arg2[%add3A_704, %dma_start3A_716] : memref<16384x1024xf32, #tpu.memory_space<hbm>> -> memref<4x1024xf32, #tpu.memory_space<hbm>>
        tpu.enqueue_dma source(%dma_start3A_717 : memref<4x1024xf32, #tpu.memory_space<hbm>>) target(%dma_start3A_715 : memref<4x1024xf32, #tpu.memory_space<vmem>>) target_semaphore(%arg8 : memref<!tpu.dma_semaphore, #tpu.memory_space<semaphore_mem>>)
      } else {
      }
      %mul3A_284 = arith.constant 4 : i32
      %mul3A_285 = arith.muli %add3A_252, %mul3A_284 : i32
      %add3A_286 = arith.addi %mul3A_2, %mul3A_285 : i32
      %dma_start3A_287 = arith.constant 0 : i32
      %dma_start3A_288 = arith.constant 0 : i32
      %dma_start3A_289 = arith.constant 0 : i32
      %dma_start3A_290 = tpu.memref_slice %arg6[%dma_start3A_287, %dma_start3A_288, %dma_start3A_289] : memref<8x4x1024xf32, #tpu.memory_space<vmem>> -> memref<1x4x1024xf32, #tpu.memory_space<vmem>>
      %dma_start3A_291 = tpu.memref_squeeze %dma_start3A_290 : memref<1x4x1024xf32, #tpu.memory_space<vmem>> -> memref<4x1024xf32, #tpu.memory_space<vmem>>
      %dma_start3A_292 = arith.constant 0 : i32
      %dma_start3A_293 = tpu.memref_slice %arg4[%add3A_286, %dma_start3A_292] : memref<16384x1024xf32, #tpu.memory_space<hbm>> -> memref<4x1024xf32, #tpu.memory_space<hbm>>
      %dma_start3A_294 = arith.constant 0 : i32
      %dma_start3A_295 = tpu.memref_slice %arg4[%add3A_286, %dma_start3A_294] : memref<16384x1024xf32, #tpu.memory_space<hbm>> -> memref<4x1024xf32, #tpu.memory_space<hbm>>
      %dma_start3A_296 = arith.constant 0 : i32
      %dma_start3A_297 = arith.constant 0 : i32
      %dma_start3A_298 = tpu.memref_slice %arg6[%dma_start3A_287, %dma_start3A_296, %dma_start3A_297] : memref<8x4x1024xf32, #tpu.memory_space<vmem>> -> memref<1x4x1024xf32, #tpu.memory_space<vmem>>
      %dma_start3A_299 = tpu.memref_squeeze %dma_start3A_298 : memref<1x4x1024xf32, #tpu.memory_space<vmem>> -> memref<4x1024xf32, #tpu.memory_space<vmem>>
      tpu.enqueue_dma source(%dma_start3A_299 : memref<4x1024xf32, #tpu.memory_space<vmem>>) target(%dma_start3A_295 : memref<4x1024xf32, #tpu.memory_space<hbm>>) target_semaphore(%arg16 : memref<!tpu.dma_semaphore, #tpu.memory_space<semaphore_mem>>)
      %mul3A_300 = arith.constant 8 : i32
      %mul3A_301 = arith.muli %scan3A_247, %mul3A_300 : i32
      %add3A_302 = arith.constant 1 : i32
      %add3A_303 = arith.addi %mul3A_301, %add3A_302 : i32
      %mul3A_304 = arith.constant 4 : i32
      %mul3A_305 = arith.muli %add3A_303, %mul3A_304 : i32
      %add3A_306 = arith.addi %mul3A_2, %mul3A_305 : i32
      %dma_wait3A_307 = arith.constant 1 : i32
      %dma_wait3A_308 = arith.constant 0 : i32
      %dma_wait3A_309 = arith.constant 0 : i32
      %dma_wait3A_310 = tpu.memref_slice %arg5[%dma_wait3A_307, %dma_wait3A_308, %dma_wait3A_309] : memref<8x4x1024xf32, #tpu.memory_space<vmem>> -> memref<1x4x1024xf32, #tpu.memory_space<vmem>>
      %dma_wait3A_311 = tpu.memref_squeeze %dma_wait3A_310 : memref<1x4x1024xf32, #tpu.memory_space<vmem>> -> memref<4x1024xf32, #tpu.memory_space<vmem>>
      %dma_wait3A_312 = arith.constant 0 : i32
      %dma_wait3A_313 = tpu.memref_slice %arg2[%add3A_306, %dma_wait3A_312] : memref<16384x1024xf32, #tpu.memory_space<hbm>> -> memref<4x1024xf32, #tpu.memory_space<hbm>>
      %dma_wait3A_314 = arith.constant 0 : i32
      %dma_wait3A_315 = arith.constant 0 : i32
      %dma_wait3A_316 = tpu.memref_slice %arg5[%dma_wait3A_307, %dma_wait3A_314, %dma_wait3A_315] : memref<8x4x1024xf32, #tpu.memory_space<vmem>> -> memref<1x4x1024xf32, #tpu.memory_space<vmem>>
      %dma_wait3A_317 = tpu.memref_squeeze %dma_wait3A_316 : memref<1x4x1024xf32, #tpu.memory_space<vmem>> -> memref<4x1024xf32, #tpu.memory_space<vmem>>
      %dma_wait3A_318 = arith.constant 0 : i32
      %dma_wait3A_319 = tpu.memref_slice %arg2[%add3A_306, %dma_wait3A_318] : memref<16384x1024xf32, #tpu.memory_space<hbm>> -> memref<4x1024xf32, #tpu.memory_space<hbm>>
      tpu.wait_dma2 semaphore(%arg9 : memref<!tpu.dma_semaphore, #tpu.memory_space<semaphore_mem>>) src(%dma_wait3A_319 : memref<4x1024xf32, #tpu.memory_space<hbm>>) dst(%dma_wait3A_317 : memref<4x1024xf32, #tpu.memory_space<vmem>>)
      %gt3A_320 = arith.constant 0 : i32
      %gt3A_321 = arith.cmpi sgt, %scan3A_247, %gt3A_320 : i32
      %convert_element_type3A_322 = arith.extui %gt3A_321 : i1 to i32
      %cond3A_323 = arith.constant 0 : i32
      %cond3A_324 = arith.cmpi ne, %convert_element_type3A_322, %cond3A_323 : i32
      scf.if %cond3A_324 {
        %sub3A = arith.constant 8 : i32
        %sub3A_700 = arith.subi %add3A_303, %sub3A : i32
        %mul3A_701 = arith.constant 4 : i32
        %mul3A_702 = arith.muli %sub3A_700, %mul3A_701 : i32
        %add3A_703 = arith.addi %mul3A_2, %mul3A_702 : i32
        %dma_wait3A_704 = arith.constant 1 : i32
        %dma_wait3A_705 = arith.constant 0 : i32
        %dma_wait3A_706 = arith.constant 0 : i32
        %dma_wait3A_707 = tpu.memref_slice %arg6[%dma_wait3A_704, %dma_wait3A_705, %dma_wait3A_706] : memref<8x4x1024xf32, #tpu.memory_space<vmem>> -> memref<1x4x1024xf32, #tpu.memory_space<vmem>>
        %dma_wait3A_708 = tpu.memref_squeeze %dma_wait3A_707 : memref<1x4x1024xf32, #tpu.memory_space<vmem>> -> memref<4x1024xf32, #tpu.memory_space<vmem>>
        %dma_wait3A_709 = arith.constant 0 : i32
        %dma_wait3A_710 = tpu.memref_slice %arg4[%add3A_703, %dma_wait3A_709] : memref<16384x1024xf32, #tpu.memory_space<hbm>> -> memref<4x1024xf32, #tpu.memory_space<hbm>>
        %dma_wait3A_711 = arith.constant 0 : i32
        %dma_wait3A_712 = tpu.memref_slice %arg4[%add3A_703, %dma_wait3A_711] : memref<16384x1024xf32, #tpu.memory_space<hbm>> -> memref<4x1024xf32, #tpu.memory_space<hbm>>
        %dma_wait3A_713 = arith.constant 0 : i32
        %dma_wait3A_714 = arith.constant 0 : i32
        %dma_wait3A_715 = tpu.memref_slice %arg6[%dma_wait3A_704, %dma_wait3A_713, %dma_wait3A_714] : memref<8x4x1024xf32, #tpu.memory_space<vmem>> -> memref<1x4x1024xf32, #tpu.memory_space<vmem>>
        %dma_wait3A_716 = tpu.memref_squeeze %dma_wait3A_715 : memref<1x4x1024xf32, #tpu.memory_space<vmem>> -> memref<4x1024xf32, #tpu.memory_space<vmem>>
        tpu.wait_dma2 semaphore(%arg17 : memref<!tpu.dma_semaphore, #tpu.memory_space<semaphore_mem>>) src(%dma_wait3A_716 : memref<4x1024xf32, #tpu.memory_space<vmem>>) dst(%dma_wait3A_712 : memref<4x1024xf32, #tpu.memory_space<hbm>>)
      } else {
      }
      %mul3A_325 = arith.constant 4 : i32
      %mul3A_326 = arith.muli %add3A_303, %mul3A_325 : i32
      %get3A_327 = arith.index_cast %mul3A_326 : i32 to index
      %get3A_328 = tpu.vector_load %arg7[%get3A_327] {strides = array<i32>} : memref<528xf32, #tpu.memory_space<vmem>>, vector<16xf32>,
      %get3A_329 = vector.shape_cast %get3A_328 : vector<16xf32> to vector<16xf32>
      %add3A_330 = arith.constant 1.000000e+00 : f32
      %add3A_331 = vector.broadcast %add3A_330 : f32 to vector<16xf32>
      %add3A_332 = arith.addf %add3A_331, %get3A_329 : vector<16xf32>
      %parallel_loop3A_333 = arith.constant 0 : i32
      %parallel_loop3A_334 = arith.constant 4 : i32
      %parallel_loop3A_335 = arith.constant 1 : i32
      scf.for %parallel_loop3A_700 = %parallel_loop3A_333 to %parallel_loop3A_334 step %parallel_loop3A_335  : i32 {
        %parallel_loop3A_701 = vector.broadcast %parallel_loop3A_700 : i32 to vector<16x1xi32>
        %parallel_loop3A_702 = vector.shape_cast %parallel_loop3A_701 : vector<16x1xi32> to vector<16xi32>
        %parallel_loop3A_703 = tpu.dynamic_gather %add3A_332[%parallel_loop3A_702] in [0] : vector<16xf32>, vector<16xi32> -> vector<16xf32>
        %parallel_loop3A_704 = arith.constant 0 : i32
        %parallel_loop3A_705 = arith.constant 1024 : i32
        %parallel_loop3A_706 = arith.constant 16 : i32
        scf.for %parallel_loop3A_707 = %parallel_loop3A_704 to %parallel_loop3A_705 step %parallel_loop3A_706  : i32 {
          %parallel_loop3A_708 = arith.constant 1 : i32
          %parallel_loop3A_709 = arith.index_cast %parallel_loop3A_708 : i32 to index
          %parallel_loop3A_710 = arith.index_cast %parallel_loop3A_700 : i32 to index
          %parallel_loop3A_711 = arith.index_cast %parallel_loop3A_707 : i32 to index
          %parallel_loop3A_712 = tpu.vector_load %arg5[%parallel_loop3A_709, %parallel_loop3A_710, %parallel_loop3A_711] {strides = array<i32>} : memref<8x4x1024xf32, #tpu.memory_space<vmem>>, vector<1x1x16xf32>,
          %parallel_loop3A_713 = vector.shape_cast %parallel_loop3A_712 : vector<1x1x16xf32> to vector<16xf32>
          %parallel_loop3A_714 = arith.mulf %parallel_loop3A_713, %parallel_loop3A_703 : vector<16xf32>
          %parallel_loop3A_715 = arith.constant 1 : i32
          %parallel_loop3A_716 = arith.index_cast %parallel_loop3A_715 : i32 to index
          %parallel_loop3A_717 = arith.index_cast %parallel_loop3A_700 : i32 to index
          %parallel_loop3A_718 = arith.index_cast %parallel_loop3A_707 : i32 to index
          %parallel_loop3A_719 = tpu.vector_load %arg6[%parallel_loop3A_716, %parallel_loop3A_717, %parallel_loop3A_718] {strides = array<i32>} : memref<8x4x1024xf32, #tpu.memory_space<vmem>>, vector<1x1x16xf32>,
          %parallel_loop3A_720 = vector.shape_cast %parallel_loop3A_719 : vector<1x1x16xf32> to vector<16xf32>
          %parallel_loop3A_721 = vector.shape_cast %parallel_loop3A_714 : vector<16xf32> to vector<1x1x16xf32>
          tpu.vector_store %arg6[%parallel_loop3A_716, %parallel_loop3A_717, %parallel_loop3A_718], %parallel_loop3A_721 {strides = array<i32>} : memref<8x4x1024xf32, #tpu.memory_space<vmem>>, vector<1x1x16xf32>,
        } {sc.loop_unroll_factor = 8 : i64, sc.parallel_access}
      } {sc.loop_unroll_factor = 1 : i64, sc.parallel_access}
      %lt3A_336 = arith.constant 15 : i32
      %lt3A_337 = arith.cmpi slt, %scan3A_247, %lt3A_336 : i32
      %convert_element_type3A_338 = arith.extui %lt3A_337 : i1 to i32
      %cond3A_339 = arith.constant 0 : i32
      %cond3A_340 = arith.cmpi ne, %convert_element_type3A_338, %cond3A_339 : i32
      scf.if %cond3A_340 {
        %add3A_700 = arith.constant 8 : i32
        %add3A_701 = arith.addi %add3A_303, %add3A_700 : i32
        %mul3A_702 = arith.constant 4 : i32
        %mul3A_703 = arith.muli %add3A_701, %mul3A_702 : i32
        %add3A_704 = arith.addi %mul3A_2, %mul3A_703 : i32
        %dma_start3A_705 = arith.constant 1 : i32
        %dma_start3A_706 = arith.constant 0 : i32
        %dma_start3A_707 = arith.constant 0 : i32
        %dma_start3A_708 = tpu.memref_slice %arg5[%dma_start3A_705, %dma_start3A_706, %dma_start3A_707] : memref<8x4x1024xf32, #tpu.memory_space<vmem>> -> memref<1x4x1024xf32, #tpu.memory_space<vmem>>
        %dma_start3A_709 = tpu.memref_squeeze %dma_start3A_708 : memref<1x4x1024xf32, #tpu.memory_space<vmem>> -> memref<4x1024xf32, #tpu.memory_space<vmem>>
        %dma_start3A_710 = arith.constant 0 : i32
        %dma_start3A_711 = tpu.memref_slice %arg2[%add3A_704, %dma_start3A_710] : memref<16384x1024xf32, #tpu.memory_space<hbm>> -> memref<4x1024xf32, #tpu.memory_space<hbm>>
        %dma_start3A_712 = arith.constant 0 : i32
        %dma_start3A_713 = arith.constant 0 : i32
        %dma_start3A_714 = tpu.memref_slice %arg5[%dma_start3A_705, %dma_start3A_712, %dma_start3A_713] : memref<8x4x1024xf32, #tpu.memory_space<vmem>> -> memref<1x4x1024xf32, #tpu.memory_space<vmem>>
        %dma_start3A_715 = tpu.memref_squeeze %dma_start3A_714 : memref<1x4x1024xf32, #tpu.memory_space<vmem>> -> memref<4x1024xf32, #tpu.memory_space<vmem>>
        %dma_start3A_716 = arith.constant 0 : i32
        %dma_start3A_717 = tpu.memref_slice %arg2[%add3A_704, %dma_start3A_716] : memref<16384x1024xf32, #tpu.memory_space<hbm>> -> memref<4x1024xf32, #tpu.memory_space<hbm>>
        tpu.enqueue_dma source(%dma_start3A_717 : memref<4x1024xf32, #tpu.memory_space<hbm>>) target(%dma_start3A_715 : memref<4x1024xf32, #tpu.memory_space<vmem>>) target_semaphore(%arg9 : memref<!tpu.dma_semaphore, #tpu.memory_space<semaphore_mem>>)
      } else {
      }
      %mul3A_341 = arith.constant 4 : i32
      %mul3A_342 = arith.muli %add3A_303, %mul3A_341 : i32
      %add3A_343 = arith.addi %mul3A_2, %mul3A_342 : i32
      %dma_start3A_344 = arith.constant 1 : i32
      %dma_start3A_345 = arith.constant 0 : i32
      %dma_start3A_346 = arith.constant 0 : i32
      %dma_start3A_347 = tpu.memref_slice %arg6[%dma_start3A_344, %dma_start3A_345, %dma_start3A_346] : memref<8x4x1024xf32, #tpu.memory_space<vmem>> -> memref<1x4x1024xf32, #tpu.memory_space<vmem>>
      %dma_start3A_348 = tpu.memref_squeeze %dma_start3A_347 : memref<1x4x1024xf32, #tpu.memory_space<vmem>> -> memref<4x1024xf32, #tpu.memory_space<vmem>>
      %dma_start3A_349 = arith.constant 0 : i32
      %dma_start3A_350 = tpu.memref_slice %arg4[%add3A_343, %dma_start3A_349] : memref<16384x1024xf32, #tpu.memory_space<hbm>> -> memref<4x1024xf32, #tpu.memory_space<hbm>>
      %dma_start3A_351 = arith.constant 0 : i32
      %dma_start3A_352 = tpu.memref_slice %arg4[%add3A_343, %dma_start3A_351] : memref<16384x1024xf32, #tpu.memory_space<hbm>> -> memref<4x1024xf32, #tpu.memory_space<hbm>>
      %dma_start3A_353 = arith.constant 0 : i32
      %dma_start3A_354 = arith.constant 0 : i32
      %dma_start3A_355 = tpu.memref_slice %arg6[%dma_start3A_344, %dma_start3A_353, %dma_start3A_354] : memref<8x4x1024xf32, #tpu.memory_space<vmem>> -> memref<1x4x1024xf32, #tpu.memory_space<vmem>>
      %dma_start3A_356 = tpu.memref_squeeze %dma_start3A_355 : memref<1x4x1024xf32, #tpu.memory_space<vmem>> -> memref<4x1024xf32, #tpu.memory_space<vmem>>
      tpu.enqueue_dma source(%dma_start3A_356 : memref<4x1024xf32, #tpu.memory_space<vmem>>) target(%dma_start3A_352 : memref<4x1024xf32, #tpu.memory_space<hbm>>) target_semaphore(%arg17 : memref<!tpu.dma_semaphore, #tpu.memory_space<semaphore_mem>>)
      %mul3A_357 = arith.constant 8 : i32
      %mul3A_358 = arith.muli %scan3A_247, %mul3A_357 : i32
      %add3A_359 = arith.constant 2 : i32
      %add3A_360 = arith.addi %mul3A_358, %add3A_359 : i32
      %mul3A_361 = arith.constant 4 : i32
      %mul3A_362 = arith.muli %add3A_360, %mul3A_361 : i32
      %add3A_363 = arith.addi %mul3A_2, %mul3A_362 : i32
      %dma_wait3A_364 = arith.constant 2 : i32
      %dma_wait3A_365 = arith.constant 0 : i32
      %dma_wait3A_366 = arith.constant 0 : i32
      %dma_wait3A_367 = tpu.memref_slice %arg5[%dma_wait3A_364, %dma_wait3A_365, %dma_wait3A_366] : memref<8x4x1024xf32, #tpu.memory_space<vmem>> -> memref<1x4x1024xf32, #tpu.memory_space<vmem>>
      %dma_wait3A_368 = tpu.memref_squeeze %dma_wait3A_367 : memref<1x4x1024xf32, #tpu.memory_space<vmem>> -> memref<4x1024xf32, #tpu.memory_space<vmem>>
      %dma_wait3A_369 = arith.constant 0 : i32
      %dma_wait3A_370 = tpu.memref_slice %arg2[%add3A_363, %dma_wait3A_369] : memref<16384x1024xf32, #tpu.memory_space<hbm>> -> memref<4x1024xf32, #tpu.memory_space<hbm>>
      %dma_wait3A_371 = arith.constant 0 : i32
      %dma_wait3A_372 = arith.constant 0 : i32
      %dma_wait3A_373 = tpu.memref_slice %arg5[%dma_wait3A_364, %dma_wait3A_371, %dma_wait3A_372] : memref<8x4x1024xf32, #tpu.memory_space<vmem>> -> memref<1x4x1024xf32, #tpu.memory_space<vmem>>
      %dma_wait3A_374 = tpu.memref_squeeze %dma_wait3A_373 : memref<1x4x1024xf32, #tpu.memory_space<vmem>> -> memref<4x1024xf32, #tpu.memory_space<vmem>>
      %dma_wait3A_375 = arith.constant 0 : i32
      %dma_wait3A_376 = tpu.memref_slice %arg2[%add3A_363, %dma_wait3A_375] : memref<16384x1024xf32, #tpu.memory_space<hbm>> -> memref<4x1024xf32, #tpu.memory_space<hbm>>
      tpu.wait_dma2 semaphore(%arg10 : memref<!tpu.dma_semaphore, #tpu.memory_space<semaphore_mem>>) src(%dma_wait3A_376 : memref<4x1024xf32, #tpu.memory_space<hbm>>) dst(%dma_wait3A_374 : memref<4x1024xf32, #tpu.memory_space<vmem>>)
      %gt3A_377 = arith.constant 0 : i32
      %gt3A_378 = arith.cmpi sgt, %scan3A_247, %gt3A_377 : i32
      %convert_element_type3A_379 = arith.extui %gt3A_378 : i1 to i32
      %cond3A_380 = arith.constant 0 : i32
      %cond3A_381 = arith.cmpi ne, %convert_element_type3A_379, %cond3A_380 : i32
      scf.if %cond3A_381 {
        %sub3A = arith.constant 8 : i32
        %sub3A_700 = arith.subi %add3A_360, %sub3A : i32
        %mul3A_701 = arith.constant 4 : i32
        %mul3A_702 = arith.muli %sub3A_700, %mul3A_701 : i32
        %add3A_703 = arith.addi %mul3A_2, %mul3A_702 : i32
        %dma_wait3A_704 = arith.constant 2 : i32
        %dma_wait3A_705 = arith.constant 0 : i32
        %dma_wait3A_706 = arith.constant 0 : i32
        %dma_wait3A_707 = tpu.memref_slice %arg6[%dma_wait3A_704, %dma_wait3A_705, %dma_wait3A_706] : memref<8x4x1024xf32, #tpu.memory_space<vmem>> -> memref<1x4x1024xf32, #tpu.memory_space<vmem>>
        %dma_wait3A_708 = tpu.memref_squeeze %dma_wait3A_707 : memref<1x4x1024xf32, #tpu.memory_space<vmem>> -> memref<4x1024xf32, #tpu.memory_space<vmem>>
        %dma_wait3A_709 = arith.constant 0 : i32
        %dma_wait3A_710 = tpu.memref_slice %arg4[%add3A_703, %dma_wait3A_709] : memref<16384x1024xf32, #tpu.memory_space<hbm>> -> memref<4x1024xf32, #tpu.memory_space<hbm>>
        %dma_wait3A_711 = arith.constant 0 : i32
        %dma_wait3A_712 = tpu.memref_slice %arg4[%add3A_703, %dma_wait3A_711] : memref<16384x1024xf32, #tpu.memory_space<hbm>> -> memref<4x1024xf32, #tpu.memory_space<hbm>>
        %dma_wait3A_713 = arith.constant 0 : i32
        %dma_wait3A_714 = arith.constant 0 : i32
        %dma_wait3A_715 = tpu.memref_slice %arg6[%dma_wait3A_704, %dma_wait3A_713, %dma_wait3A_714] : memref<8x4x1024xf32, #tpu.memory_space<vmem>> -> memref<1x4x1024xf32, #tpu.memory_space<vmem>>
        %dma_wait3A_716 = tpu.memref_squeeze %dma_wait3A_715 : memref<1x4x1024xf32, #tpu.memory_space<vmem>> -> memref<4x1024xf32, #tpu.memory_space<vmem>>
        tpu.wait_dma2 semaphore(%arg18 : memref<!tpu.dma_semaphore, #tpu.memory_space<semaphore_mem>>) src(%dma_wait3A_716 : memref<4x1024xf32, #tpu.memory_space<vmem>>) dst(%dma_wait3A_712 : memref<4x1024xf32, #tpu.memory_space<hbm>>)
      } else {
      }
      %mul3A_382 = arith.constant 4 : i32
      %mul3A_383 = arith.muli %add3A_360, %mul3A_382 : i32
      %get3A_384 = arith.index_cast %mul3A_383 : i32 to index
      %get3A_385 = tpu.vector_load %arg7[%get3A_384] {strides = array<i32>} : memref<528xf32, #tpu.memory_space<vmem>>, vector<16xf32>,
      %get3A_386 = vector.shape_cast %get3A_385 : vector<16xf32> to vector<16xf32>
      %add3A_387 = arith.constant 1.000000e+00 : f32
      %add3A_388 = vector.broadcast %add3A_387 : f32 to vector<16xf32>
      %add3A_389 = arith.addf %add3A_388, %get3A_386 : vector<16xf32>
      %parallel_loop3A_390 = arith.constant 0 : i32
      %parallel_loop3A_391 = arith.constant 4 : i32
      %parallel_loop3A_392 = arith.constant 1 : i32
      scf.for %parallel_loop3A_700 = %parallel_loop3A_390 to %parallel_loop3A_391 step %parallel_loop3A_392  : i32 {
        %parallel_loop3A_701 = vector.broadcast %parallel_loop3A_700 : i32 to vector<16x1xi32>
        %parallel_loop3A_702 = vector.shape_cast %parallel_loop3A_701 : vector<16x1xi32> to vector<16xi32>
        %parallel_loop3A_703 = tpu.dynamic_gather %add3A_389[%parallel_loop3A_702] in [0] : vector<16xf32>, vector<16xi32> -> vector<16xf32>
        %parallel_loop3A_704 = arith.constant 0 : i32
        %parallel_loop3A_705 = arith.constant 1024 : i32
        %parallel_loop3A_706 = arith.constant 16 : i32
        scf.for %parallel_loop3A_707 = %parallel_loop3A_704 to %parallel_loop3A_705 step %parallel_loop3A_706  : i32 {
          %parallel_loop3A_708 = arith.constant 2 : i32
          %parallel_loop3A_709 = arith.index_cast %parallel_loop3A_708 : i32 to index
          %parallel_loop3A_710 = arith.index_cast %parallel_loop3A_700 : i32 to index
          %parallel_loop3A_711 = arith.index_cast %parallel_loop3A_707 : i32 to index
          %parallel_loop3A_712 = tpu.vector_load %arg5[%parallel_loop3A_709, %parallel_loop3A_710, %parallel_loop3A_711] {strides = array<i32>} : memref<8x4x1024xf32, #tpu.memory_space<vmem>>, vector<1x1x16xf32>,
          %parallel_loop3A_713 = vector.shape_cast %parallel_loop3A_712 : vector<1x1x16xf32> to vector<16xf32>
          %parallel_loop3A_714 = arith.mulf %parallel_loop3A_713, %parallel_loop3A_703 : vector<16xf32>
          %parallel_loop3A_715 = arith.constant 2 : i32
          %parallel_loop3A_716 = arith.index_cast %parallel_loop3A_715 : i32 to index
          %parallel_loop3A_717 = arith.index_cast %parallel_loop3A_700 : i32 to index
          %parallel_loop3A_718 = arith.index_cast %parallel_loop3A_707 : i32 to index
          %parallel_loop3A_719 = tpu.vector_load %arg6[%parallel_loop3A_716, %parallel_loop3A_717, %parallel_loop3A_718] {strides = array<i32>} : memref<8x4x1024xf32, #tpu.memory_space<vmem>>, vector<1x1x16xf32>,
          %parallel_loop3A_720 = vector.shape_cast %parallel_loop3A_719 : vector<1x1x16xf32> to vector<16xf32>
          %parallel_loop3A_721 = vector.shape_cast %parallel_loop3A_714 : vector<16xf32> to vector<1x1x16xf32>
          tpu.vector_store %arg6[%parallel_loop3A_716, %parallel_loop3A_717, %parallel_loop3A_718], %parallel_loop3A_721 {strides = array<i32>} : memref<8x4x1024xf32, #tpu.memory_space<vmem>>, vector<1x1x16xf32>,
        } {sc.loop_unroll_factor = 8 : i64, sc.parallel_access}
      } {sc.loop_unroll_factor = 1 : i64, sc.parallel_access}
      %lt3A_393 = arith.constant 15 : i32
      %lt3A_394 = arith.cmpi slt, %scan3A_247, %lt3A_393 : i32
      %convert_element_type3A_395 = arith.extui %lt3A_394 : i1 to i32
      %cond3A_396 = arith.constant 0 : i32
      %cond3A_397 = arith.cmpi ne, %convert_element_type3A_395, %cond3A_396 : i32
      scf.if %cond3A_397 {
        %add3A_700 = arith.constant 8 : i32
        %add3A_701 = arith.addi %add3A_360, %add3A_700 : i32
        %mul3A_702 = arith.constant 4 : i32
        %mul3A_703 = arith.muli %add3A_701, %mul3A_702 : i32
        %add3A_704 = arith.addi %mul3A_2, %mul3A_703 : i32
        %dma_start3A_705 = arith.constant 2 : i32
        %dma_start3A_706 = arith.constant 0 : i32
        %dma_start3A_707 = arith.constant 0 : i32
        %dma_start3A_708 = tpu.memref_slice %arg5[%dma_start3A_705, %dma_start3A_706, %dma_start3A_707] : memref<8x4x1024xf32, #tpu.memory_space<vmem>> -> memref<1x4x1024xf32, #tpu.memory_space<vmem>>
        %dma_start3A_709 = tpu.memref_squeeze %dma_start3A_708 : memref<1x4x1024xf32, #tpu.memory_space<vmem>> -> memref<4x1024xf32, #tpu.memory_space<vmem>>
        %dma_start3A_710 = arith.constant 0 : i32
        %dma_start3A_711 = tpu.memref_slice %arg2[%add3A_704, %dma_start3A_710] : memref<16384x1024xf32, #tpu.memory_space<hbm>> -> memref<4x1024xf32, #tpu.memory_space<hbm>>
        %dma_start3A_712 = arith.constant 0 : i32
        %dma_start3A_713 = arith.constant 0 : i32
        %dma_start3A_714 = tpu.memref_slice %arg5[%dma_start3A_705, %dma_start3A_712, %dma_start3A_713] : memref<8x4x1024xf32, #tpu.memory_space<vmem>> -> memref<1x4x1024xf32, #tpu.memory_space<vmem>>
        %dma_start3A_715 = tpu.memref_squeeze %dma_start3A_714 : memref<1x4x1024xf32, #tpu.memory_space<vmem>> -> memref<4x1024xf32, #tpu.memory_space<vmem>>
        %dma_start3A_716 = arith.constant 0 : i32
        %dma_start3A_717 = tpu.memref_slice %arg2[%add3A_704, %dma_start3A_716] : memref<16384x1024xf32, #tpu.memory_space<hbm>> -> memref<4x1024xf32, #tpu.memory_space<hbm>>
        tpu.enqueue_dma source(%dma_start3A_717 : memref<4x1024xf32, #tpu.memory_space<hbm>>) target(%dma_start3A_715 : memref<4x1024xf32, #tpu.memory_space<vmem>>) target_semaphore(%arg10 : memref<!tpu.dma_semaphore, #tpu.memory_space<semaphore_mem>>)
      } else {
      }
      %mul3A_398 = arith.constant 4 : i32
      %mul3A_399 = arith.muli %add3A_360, %mul3A_398 : i32
      %add3A_400 = arith.addi %mul3A_2, %mul3A_399 : i32
      %dma_start3A_401 = arith.constant 2 : i32
      %dma_start3A_402 = arith.constant 0 : i32
      %dma_start3A_403 = arith.constant 0 : i32
      %dma_start3A_404 = tpu.memref_slice %arg6[%dma_start3A_401, %dma_start3A_402, %dma_start3A_403] : memref<8x4x1024xf32, #tpu.memory_space<vmem>> -> memref<1x4x1024xf32, #tpu.memory_space<vmem>>
      %dma_start3A_405 = tpu.memref_squeeze %dma_start3A_404 : memref<1x4x1024xf32, #tpu.memory_space<vmem>> -> memref<4x1024xf32, #tpu.memory_space<vmem>>
      %dma_start3A_406 = arith.constant 0 : i32
      %dma_start3A_407 = tpu.memref_slice %arg4[%add3A_400, %dma_start3A_406] : memref<16384x1024xf32, #tpu.memory_space<hbm>> -> memref<4x1024xf32, #tpu.memory_space<hbm>>
      %dma_start3A_408 = arith.constant 0 : i32
      %dma_start3A_409 = tpu.memref_slice %arg4[%add3A_400, %dma_start3A_408] : memref<16384x1024xf32, #tpu.memory_space<hbm>> -> memref<4x1024xf32, #tpu.memory_space<hbm>>
      %dma_start3A_410 = arith.constant 0 : i32
      %dma_start3A_411 = arith.constant 0 : i32
      %dma_start3A_412 = tpu.memref_slice %arg6[%dma_start3A_401, %dma_start3A_410, %dma_start3A_411] : memref<8x4x1024xf32, #tpu.memory_space<vmem>> -> memref<1x4x1024xf32, #tpu.memory_space<vmem>>
      %dma_start3A_413 = tpu.memref_squeeze %dma_start3A_412 : memref<1x4x1024xf32, #tpu.memory_space<vmem>> -> memref<4x1024xf32, #tpu.memory_space<vmem>>
      tpu.enqueue_dma source(%dma_start3A_413 : memref<4x1024xf32, #tpu.memory_space<vmem>>) target(%dma_start3A_409 : memref<4x1024xf32, #tpu.memory_space<hbm>>) target_semaphore(%arg18 : memref<!tpu.dma_semaphore, #tpu.memory_space<semaphore_mem>>)
      %mul3A_414 = arith.constant 8 : i32
      %mul3A_415 = arith.muli %scan3A_247, %mul3A_414 : i32
      %add3A_416 = arith.constant 3 : i32
      %add3A_417 = arith.addi %mul3A_415, %add3A_416 : i32
      %mul3A_418 = arith.constant 4 : i32
      %mul3A_419 = arith.muli %add3A_417, %mul3A_418 : i32
      %add3A_420 = arith.addi %mul3A_2, %mul3A_419 : i32
      %dma_wait3A_421 = arith.constant 3 : i32
      %dma_wait3A_422 = arith.constant 0 : i32
      %dma_wait3A_423 = arith.constant 0 : i32
      %dma_wait3A_424 = tpu.memref_slice %arg5[%dma_wait3A_421, %dma_wait3A_422, %dma_wait3A_423] : memref<8x4x1024xf32, #tpu.memory_space<vmem>> -> memref<1x4x1024xf32, #tpu.memory_space<vmem>>
      %dma_wait3A_425 = tpu.memref_squeeze %dma_wait3A_424 : memref<1x4x1024xf32, #tpu.memory_space<vmem>> -> memref<4x1024xf32, #tpu.memory_space<vmem>>
      %dma_wait3A_426 = arith.constant 0 : i32
      %dma_wait3A_427 = tpu.memref_slice %arg2[%add3A_420, %dma_wait3A_426] : memref<16384x1024xf32, #tpu.memory_space<hbm>> -> memref<4x1024xf32, #tpu.memory_space<hbm>>
      %dma_wait3A_428 = arith.constant 0 : i32
      %dma_wait3A_429 = arith.constant 0 : i32
      %dma_wait3A_430 = tpu.memref_slice %arg5[%dma_wait3A_421, %dma_wait3A_428, %dma_wait3A_429] : memref<8x4x1024xf32, #tpu.memory_space<vmem>> -> memref<1x4x1024xf32, #tpu.memory_space<vmem>>
      %dma_wait3A_431 = tpu.memref_squeeze %dma_wait3A_430 : memref<1x4x1024xf32, #tpu.memory_space<vmem>> -> memref<4x1024xf32, #tpu.memory_space<vmem>>
      %dma_wait3A_432 = arith.constant 0 : i32
      %dma_wait3A_433 = tpu.memref_slice %arg2[%add3A_420, %dma_wait3A_432] : memref<16384x1024xf32, #tpu.memory_space<hbm>> -> memref<4x1024xf32, #tpu.memory_space<hbm>>
      tpu.wait_dma2 semaphore(%arg11 : memref<!tpu.dma_semaphore, #tpu.memory_space<semaphore_mem>>) src(%dma_wait3A_433 : memref<4x1024xf32, #tpu.memory_space<hbm>>) dst(%dma_wait3A_431 : memref<4x1024xf32, #tpu.memory_space<vmem>>)
      %gt3A_434 = arith.constant 0 : i32
      %gt3A_435 = arith.cmpi sgt, %scan3A_247, %gt3A_434 : i32
      %convert_element_type3A_436 = arith.extui %gt3A_435 : i1 to i32
      %cond3A_437 = arith.constant 0 : i32
      %cond3A_438 = arith.cmpi ne, %convert_element_type3A_436, %cond3A_437 : i32
      scf.if %cond3A_438 {
        %sub3A = arith.constant 8 : i32
        %sub3A_700 = arith.subi %add3A_417, %sub3A : i32
        %mul3A_701 = arith.constant 4 : i32
        %mul3A_702 = arith.muli %sub3A_700, %mul3A_701 : i32
        %add3A_703 = arith.addi %mul3A_2, %mul3A_702 : i32
        %dma_wait3A_704 = arith.constant 3 : i32
        %dma_wait3A_705 = arith.constant 0 : i32
        %dma_wait3A_706 = arith.constant 0 : i32
        %dma_wait3A_707 = tpu.memref_slice %arg6[%dma_wait3A_704, %dma_wait3A_705, %dma_wait3A_706] : memref<8x4x1024xf32, #tpu.memory_space<vmem>> -> memref<1x4x1024xf32, #tpu.memory_space<vmem>>
        %dma_wait3A_708 = tpu.memref_squeeze %dma_wait3A_707 : memref<1x4x1024xf32, #tpu.memory_space<vmem>> -> memref<4x1024xf32, #tpu.memory_space<vmem>>
        %dma_wait3A_709 = arith.constant 0 : i32
        %dma_wait3A_710 = tpu.memref_slice %arg4[%add3A_703, %dma_wait3A_709] : memref<16384x1024xf32, #tpu.memory_space<hbm>> -> memref<4x1024xf32, #tpu.memory_space<hbm>>
        %dma_wait3A_711 = arith.constant 0 : i32
        %dma_wait3A_712 = tpu.memref_slice %arg4[%add3A_703, %dma_wait3A_711] : memref<16384x1024xf32, #tpu.memory_space<hbm>> -> memref<4x1024xf32, #tpu.memory_space<hbm>>
        %dma_wait3A_713 = arith.constant 0 : i32
        %dma_wait3A_714 = arith.constant 0 : i32
        %dma_wait3A_715 = tpu.memref_slice %arg6[%dma_wait3A_704, %dma_wait3A_713, %dma_wait3A_714] : memref<8x4x1024xf32, #tpu.memory_space<vmem>> -> memref<1x4x1024xf32, #tpu.memory_space<vmem>>
        %dma_wait3A_716 = tpu.memref_squeeze %dma_wait3A_715 : memref<1x4x1024xf32, #tpu.memory_space<vmem>> -> memref<4x1024xf32, #tpu.memory_space<vmem>>
        tpu.wait_dma2 semaphore(%arg19 : memref<!tpu.dma_semaphore, #tpu.memory_space<semaphore_mem>>) src(%dma_wait3A_716 : memref<4x1024xf32, #tpu.memory_space<vmem>>) dst(%dma_wait3A_712 : memref<4x1024xf32, #tpu.memory_space<hbm>>)
      } else {
      }
      %mul3A_439 = arith.constant 4 : i32
      %mul3A_440 = arith.muli %add3A_417, %mul3A_439 : i32
      %get3A_441 = arith.index_cast %mul3A_440 : i32 to index
      %get3A_442 = tpu.vector_load %arg7[%get3A_441] {strides = array<i32>} : memref<528xf32, #tpu.memory_space<vmem>>, vector<16xf32>,
      %get3A_443 = vector.shape_cast %get3A_442 : vector<16xf32> to vector<16xf32>
      %add3A_444 = arith.constant 1.000000e+00 : f32
      %add3A_445 = vector.broadcast %add3A_444 : f32 to vector<16xf32>
      %add3A_446 = arith.addf %add3A_445, %get3A_443 : vector<16xf32>
      %parallel_loop3A_447 = arith.constant 0 : i32
      %parallel_loop3A_448 = arith.constant 4 : i32
      %parallel_loop3A_449 = arith.constant 1 : i32
      scf.for %parallel_loop3A_700 = %parallel_loop3A_447 to %parallel_loop3A_448 step %parallel_loop3A_449  : i32 {
        %parallel_loop3A_701 = vector.broadcast %parallel_loop3A_700 : i32 to vector<16x1xi32>
        %parallel_loop3A_702 = vector.shape_cast %parallel_loop3A_701 : vector<16x1xi32> to vector<16xi32>
        %parallel_loop3A_703 = tpu.dynamic_gather %add3A_446[%parallel_loop3A_702] in [0] : vector<16xf32>, vector<16xi32> -> vector<16xf32>
        %parallel_loop3A_704 = arith.constant 0 : i32
        %parallel_loop3A_705 = arith.constant 1024 : i32
        %parallel_loop3A_706 = arith.constant 16 : i32
        scf.for %parallel_loop3A_707 = %parallel_loop3A_704 to %parallel_loop3A_705 step %parallel_loop3A_706  : i32 {
          %parallel_loop3A_708 = arith.constant 3 : i32
          %parallel_loop3A_709 = arith.index_cast %parallel_loop3A_708 : i32 to index
          %parallel_loop3A_710 = arith.index_cast %parallel_loop3A_700 : i32 to index
          %parallel_loop3A_711 = arith.index_cast %parallel_loop3A_707 : i32 to index
          %parallel_loop3A_712 = tpu.vector_load %arg5[%parallel_loop3A_709, %parallel_loop3A_710, %parallel_loop3A_711] {strides = array<i32>} : memref<8x4x1024xf32, #tpu.memory_space<vmem>>, vector<1x1x16xf32>,
          %parallel_loop3A_713 = vector.shape_cast %parallel_loop3A_712 : vector<1x1x16xf32> to vector<16xf32>
          %parallel_loop3A_714 = arith.mulf %parallel_loop3A_713, %parallel_loop3A_703 : vector<16xf32>
          %parallel_loop3A_715 = arith.constant 3 : i32
          %parallel_loop3A_716 = arith.index_cast %parallel_loop3A_715 : i32 to index
          %parallel_loop3A_717 = arith.index_cast %parallel_loop3A_700 : i32 to index
          %parallel_loop3A_718 = arith.index_cast %parallel_loop3A_707 : i32 to index
          %parallel_loop3A_719 = tpu.vector_load %arg6[%parallel_loop3A_716, %parallel_loop3A_717, %parallel_loop3A_718] {strides = array<i32>} : memref<8x4x1024xf32, #tpu.memory_space<vmem>>, vector<1x1x16xf32>,
          %parallel_loop3A_720 = vector.shape_cast %parallel_loop3A_719 : vector<1x1x16xf32> to vector<16xf32>
          %parallel_loop3A_721 = vector.shape_cast %parallel_loop3A_714 : vector<16xf32> to vector<1x1x16xf32>
          tpu.vector_store %arg6[%parallel_loop3A_716, %parallel_loop3A_717, %parallel_loop3A_718], %parallel_loop3A_721 {strides = array<i32>} : memref<8x4x1024xf32, #tpu.memory_space<vmem>>, vector<1x1x16xf32>,
        } {sc.loop_unroll_factor = 8 : i64, sc.parallel_access}
      } {sc.loop_unroll_factor = 1 : i64, sc.parallel_access}
      %lt3A_450 = arith.constant 15 : i32
      %lt3A_451 = arith.cmpi slt, %scan3A_247, %lt3A_450 : i32
      %convert_element_type3A_452 = arith.extui %lt3A_451 : i1 to i32
      %cond3A_453 = arith.constant 0 : i32
      %cond3A_454 = arith.cmpi ne, %convert_element_type3A_452, %cond3A_453 : i32
      scf.if %cond3A_454 {
        %add3A_700 = arith.constant 8 : i32
        %add3A_701 = arith.addi %add3A_417, %add3A_700 : i32
        %mul3A_702 = arith.constant 4 : i32
        %mul3A_703 = arith.muli %add3A_701, %mul3A_702 : i32
        %add3A_704 = arith.addi %mul3A_2, %mul3A_703 : i32
        %dma_start3A_705 = arith.constant 3 : i32
        %dma_start3A_706 = arith.constant 0 : i32
        %dma_start3A_707 = arith.constant 0 : i32
        %dma_start3A_708 = tpu.memref_slice %arg5[%dma_start3A_705, %dma_start3A_706, %dma_start3A_707] : memref<8x4x1024xf32, #tpu.memory_space<vmem>> -> memref<1x4x1024xf32, #tpu.memory_space<vmem>>
        %dma_start3A_709 = tpu.memref_squeeze %dma_start3A_708 : memref<1x4x1024xf32, #tpu.memory_space<vmem>> -> memref<4x1024xf32, #tpu.memory_space<vmem>>
        %dma_start3A_710 = arith.constant 0 : i32
        %dma_start3A_711 = tpu.memref_slice %arg2[%add3A_704, %dma_start3A_710] : memref<16384x1024xf32, #tpu.memory_space<hbm>> -> memref<4x1024xf32, #tpu.memory_space<hbm>>
        %dma_start3A_712 = arith.constant 0 : i32
        %dma_start3A_713 = arith.constant 0 : i32
        %dma_start3A_714 = tpu.memref_slice %arg5[%dma_start3A_705, %dma_start3A_712, %dma_start3A_713] : memref<8x4x1024xf32, #tpu.memory_space<vmem>> -> memref<1x4x1024xf32, #tpu.memory_space<vmem>>
        %dma_start3A_715 = tpu.memref_squeeze %dma_start3A_714 : memref<1x4x1024xf32, #tpu.memory_space<vmem>> -> memref<4x1024xf32, #tpu.memory_space<vmem>>
        %dma_start3A_716 = arith.constant 0 : i32
        %dma_start3A_717 = tpu.memref_slice %arg2[%add3A_704, %dma_start3A_716] : memref<16384x1024xf32, #tpu.memory_space<hbm>> -> memref<4x1024xf32, #tpu.memory_space<hbm>>
        tpu.enqueue_dma source(%dma_start3A_717 : memref<4x1024xf32, #tpu.memory_space<hbm>>) target(%dma_start3A_715 : memref<4x1024xf32, #tpu.memory_space<vmem>>) target_semaphore(%arg11 : memref<!tpu.dma_semaphore, #tpu.memory_space<semaphore_mem>>)
      } else {
      }
      %mul3A_455 = arith.constant 4 : i32
      %mul3A_456 = arith.muli %add3A_417, %mul3A_455 : i32
      %add3A_457 = arith.addi %mul3A_2, %mul3A_456 : i32
      %dma_start3A_458 = arith.constant 3 : i32
      %dma_start3A_459 = arith.constant 0 : i32
      %dma_start3A_460 = arith.constant 0 : i32
      %dma_start3A_461 = tpu.memref_slice %arg6[%dma_start3A_458, %dma_start3A_459, %dma_start3A_460] : memref<8x4x1024xf32, #tpu.memory_space<vmem>> -> memref<1x4x1024xf32, #tpu.memory_space<vmem>>
      %dma_start3A_462 = tpu.memref_squeeze %dma_start3A_461 : memref<1x4x1024xf32, #tpu.memory_space<vmem>> -> memref<4x1024xf32, #tpu.memory_space<vmem>>
      %dma_start3A_463 = arith.constant 0 : i32
      %dma_start3A_464 = tpu.memref_slice %arg4[%add3A_457, %dma_start3A_463] : memref<16384x1024xf32, #tpu.memory_space<hbm>> -> memref<4x1024xf32, #tpu.memory_space<hbm>>
      %dma_start3A_465 = arith.constant 0 : i32
      %dma_start3A_466 = tpu.memref_slice %arg4[%add3A_457, %dma_start3A_465] : memref<16384x1024xf32, #tpu.memory_space<hbm>> -> memref<4x1024xf32, #tpu.memory_space<hbm>>
      %dma_start3A_467 = arith.constant 0 : i32
      %dma_start3A_468 = arith.constant 0 : i32
      %dma_start3A_469 = tpu.memref_slice %arg6[%dma_start3A_458, %dma_start3A_467, %dma_start3A_468] : memref<8x4x1024xf32, #tpu.memory_space<vmem>> -> memref<1x4x1024xf32, #tpu.memory_space<vmem>>
      %dma_start3A_470 = tpu.memref_squeeze %dma_start3A_469 : memref<1x4x1024xf32, #tpu.memory_space<vmem>> -> memref<4x1024xf32, #tpu.memory_space<vmem>>
      tpu.enqueue_dma source(%dma_start3A_470 : memref<4x1024xf32, #tpu.memory_space<vmem>>) target(%dma_start3A_466 : memref<4x1024xf32, #tpu.memory_space<hbm>>) target_semaphore(%arg19 : memref<!tpu.dma_semaphore, #tpu.memory_space<semaphore_mem>>)
      %mul3A_471 = arith.constant 8 : i32
      %mul3A_472 = arith.muli %scan3A_247, %mul3A_471 : i32
      %add3A_473 = arith.constant 4 : i32
      %add3A_474 = arith.addi %mul3A_472, %add3A_473 : i32
      %mul3A_475 = arith.constant 4 : i32
      %mul3A_476 = arith.muli %add3A_474, %mul3A_475 : i32
      %add3A_477 = arith.addi %mul3A_2, %mul3A_476 : i32
      %dma_wait3A_478 = arith.constant 4 : i32
      %dma_wait3A_479 = arith.constant 0 : i32
      %dma_wait3A_480 = arith.constant 0 : i32
      %dma_wait3A_481 = tpu.memref_slice %arg5[%dma_wait3A_478, %dma_wait3A_479, %dma_wait3A_480] : memref<8x4x1024xf32, #tpu.memory_space<vmem>> -> memref<1x4x1024xf32, #tpu.memory_space<vmem>>
      %dma_wait3A_482 = tpu.memref_squeeze %dma_wait3A_481 : memref<1x4x1024xf32, #tpu.memory_space<vmem>> -> memref<4x1024xf32, #tpu.memory_space<vmem>>
      %dma_wait3A_483 = arith.constant 0 : i32
      %dma_wait3A_484 = tpu.memref_slice %arg2[%add3A_477, %dma_wait3A_483] : memref<16384x1024xf32, #tpu.memory_space<hbm>> -> memref<4x1024xf32, #tpu.memory_space<hbm>>
      %dma_wait3A_485 = arith.constant 0 : i32
      %dma_wait3A_486 = arith.constant 0 : i32
      %dma_wait3A_487 = tpu.memref_slice %arg5[%dma_wait3A_478, %dma_wait3A_485, %dma_wait3A_486] : memref<8x4x1024xf32, #tpu.memory_space<vmem>> -> memref<1x4x1024xf32, #tpu.memory_space<vmem>>
      %dma_wait3A_488 = tpu.memref_squeeze %dma_wait3A_487 : memref<1x4x1024xf32, #tpu.memory_space<vmem>> -> memref<4x1024xf32, #tpu.memory_space<vmem>>
      %dma_wait3A_489 = arith.constant 0 : i32
      %dma_wait3A_490 = tpu.memref_slice %arg2[%add3A_477, %dma_wait3A_489] : memref<16384x1024xf32, #tpu.memory_space<hbm>> -> memref<4x1024xf32, #tpu.memory_space<hbm>>
      tpu.wait_dma2 semaphore(%arg12 : memref<!tpu.dma_semaphore, #tpu.memory_space<semaphore_mem>>) src(%dma_wait3A_490 : memref<4x1024xf32, #tpu.memory_space<hbm>>) dst(%dma_wait3A_488 : memref<4x1024xf32, #tpu.memory_space<vmem>>)
      %gt3A_491 = arith.constant 0 : i32
      %gt3A_492 = arith.cmpi sgt, %scan3A_247, %gt3A_491 : i32
      %convert_element_type3A_493 = arith.extui %gt3A_492 : i1 to i32
      %cond3A_494 = arith.constant 0 : i32
      %cond3A_495 = arith.cmpi ne, %convert_element_type3A_493, %cond3A_494 : i32
      scf.if %cond3A_495 {
        %sub3A = arith.constant 8 : i32
        %sub3A_700 = arith.subi %add3A_474, %sub3A : i32
        %mul3A_701 = arith.constant 4 : i32
        %mul3A_702 = arith.muli %sub3A_700, %mul3A_701 : i32
        %add3A_703 = arith.addi %mul3A_2, %mul3A_702 : i32
        %dma_wait3A_704 = arith.constant 4 : i32
        %dma_wait3A_705 = arith.constant 0 : i32
        %dma_wait3A_706 = arith.constant 0 : i32
        %dma_wait3A_707 = tpu.memref_slice %arg6[%dma_wait3A_704, %dma_wait3A_705, %dma_wait3A_706] : memref<8x4x1024xf32, #tpu.memory_space<vmem>> -> memref<1x4x1024xf32, #tpu.memory_space<vmem>>
        %dma_wait3A_708 = tpu.memref_squeeze %dma_wait3A_707 : memref<1x4x1024xf32, #tpu.memory_space<vmem>> -> memref<4x1024xf32, #tpu.memory_space<vmem>>
        %dma_wait3A_709 = arith.constant 0 : i32
        %dma_wait3A_710 = tpu.memref_slice %arg4[%add3A_703, %dma_wait3A_709] : memref<16384x1024xf32, #tpu.memory_space<hbm>> -> memref<4x1024xf32, #tpu.memory_space<hbm>>
        %dma_wait3A_711 = arith.constant 0 : i32
        %dma_wait3A_712 = tpu.memref_slice %arg4[%add3A_703, %dma_wait3A_711] : memref<16384x1024xf32, #tpu.memory_space<hbm>> -> memref<4x1024xf32, #tpu.memory_space<hbm>>
        %dma_wait3A_713 = arith.constant 0 : i32
        %dma_wait3A_714 = arith.constant 0 : i32
        %dma_wait3A_715 = tpu.memref_slice %arg6[%dma_wait3A_704, %dma_wait3A_713, %dma_wait3A_714] : memref<8x4x1024xf32, #tpu.memory_space<vmem>> -> memref<1x4x1024xf32, #tpu.memory_space<vmem>>
        %dma_wait3A_716 = tpu.memref_squeeze %dma_wait3A_715 : memref<1x4x1024xf32, #tpu.memory_space<vmem>> -> memref<4x1024xf32, #tpu.memory_space<vmem>>
        tpu.wait_dma2 semaphore(%arg20 : memref<!tpu.dma_semaphore, #tpu.memory_space<semaphore_mem>>) src(%dma_wait3A_716 : memref<4x1024xf32, #tpu.memory_space<vmem>>) dst(%dma_wait3A_712 : memref<4x1024xf32, #tpu.memory_space<hbm>>)
      } else {
      }
      %mul3A_496 = arith.constant 4 : i32
      %mul3A_497 = arith.muli %add3A_474, %mul3A_496 : i32
      %get3A_498 = arith.index_cast %mul3A_497 : i32 to index
      %get3A_499 = tpu.vector_load %arg7[%get3A_498] {strides = array<i32>} : memref<528xf32, #tpu.memory_space<vmem>>, vector<16xf32>,
      %get3A_500 = vector.shape_cast %get3A_499 : vector<16xf32> to vector<16xf32>
      %add3A_501 = arith.constant 1.000000e+00 : f32
      %add3A_502 = vector.broadcast %add3A_501 : f32 to vector<16xf32>
      %add3A_503 = arith.addf %add3A_502, %get3A_500 : vector<16xf32>
      %parallel_loop3A_504 = arith.constant 0 : i32
      %parallel_loop3A_505 = arith.constant 4 : i32
      %parallel_loop3A_506 = arith.constant 1 : i32
      scf.for %parallel_loop3A_700 = %parallel_loop3A_504 to %parallel_loop3A_505 step %parallel_loop3A_506  : i32 {
        %parallel_loop3A_701 = vector.broadcast %parallel_loop3A_700 : i32 to vector<16x1xi32>
        %parallel_loop3A_702 = vector.shape_cast %parallel_loop3A_701 : vector<16x1xi32> to vector<16xi32>
        %parallel_loop3A_703 = tpu.dynamic_gather %add3A_503[%parallel_loop3A_702] in [0] : vector<16xf32>, vector<16xi32> -> vector<16xf32>
        %parallel_loop3A_704 = arith.constant 0 : i32
        %parallel_loop3A_705 = arith.constant 1024 : i32
        %parallel_loop3A_706 = arith.constant 16 : i32
        scf.for %parallel_loop3A_707 = %parallel_loop3A_704 to %parallel_loop3A_705 step %parallel_loop3A_706  : i32 {
          %parallel_loop3A_708 = arith.constant 4 : i32
          %parallel_loop3A_709 = arith.index_cast %parallel_loop3A_708 : i32 to index
          %parallel_loop3A_710 = arith.index_cast %parallel_loop3A_700 : i32 to index
          %parallel_loop3A_711 = arith.index_cast %parallel_loop3A_707 : i32 to index
          %parallel_loop3A_712 = tpu.vector_load %arg5[%parallel_loop3A_709, %parallel_loop3A_710, %parallel_loop3A_711] {strides = array<i32>} : memref<8x4x1024xf32, #tpu.memory_space<vmem>>, vector<1x1x16xf32>,
          %parallel_loop3A_713 = vector.shape_cast %parallel_loop3A_712 : vector<1x1x16xf32> to vector<16xf32>
          %parallel_loop3A_714 = arith.mulf %parallel_loop3A_713, %parallel_loop3A_703 : vector<16xf32>
          %parallel_loop3A_715 = arith.constant 4 : i32
          %parallel_loop3A_716 = arith.index_cast %parallel_loop3A_715 : i32 to index
          %parallel_loop3A_717 = arith.index_cast %parallel_loop3A_700 : i32 to index
          %parallel_loop3A_718 = arith.index_cast %parallel_loop3A_707 : i32 to index
          %parallel_loop3A_719 = tpu.vector_load %arg6[%parallel_loop3A_716, %parallel_loop3A_717, %parallel_loop3A_718] {strides = array<i32>} : memref<8x4x1024xf32, #tpu.memory_space<vmem>>, vector<1x1x16xf32>,
          %parallel_loop3A_720 = vector.shape_cast %parallel_loop3A_719 : vector<1x1x16xf32> to vector<16xf32>
          %parallel_loop3A_721 = vector.shape_cast %parallel_loop3A_714 : vector<16xf32> to vector<1x1x16xf32>
          tpu.vector_store %arg6[%parallel_loop3A_716, %parallel_loop3A_717, %parallel_loop3A_718], %parallel_loop3A_721 {strides = array<i32>} : memref<8x4x1024xf32, #tpu.memory_space<vmem>>, vector<1x1x16xf32>,
        } {sc.loop_unroll_factor = 8 : i64, sc.parallel_access}
      } {sc.loop_unroll_factor = 1 : i64, sc.parallel_access}
      %lt3A_507 = arith.constant 15 : i32
      %lt3A_508 = arith.cmpi slt, %scan3A_247, %lt3A_507 : i32
      %convert_element_type3A_509 = arith.extui %lt3A_508 : i1 to i32
      %cond3A_510 = arith.constant 0 : i32
      %cond3A_511 = arith.cmpi ne, %convert_element_type3A_509, %cond3A_510 : i32
      scf.if %cond3A_511 {
        %add3A_700 = arith.constant 8 : i32
        %add3A_701 = arith.addi %add3A_474, %add3A_700 : i32
        %mul3A_702 = arith.constant 4 : i32
        %mul3A_703 = arith.muli %add3A_701, %mul3A_702 : i32
        %add3A_704 = arith.addi %mul3A_2, %mul3A_703 : i32
        %dma_start3A_705 = arith.constant 4 : i32
        %dma_start3A_706 = arith.constant 0 : i32
        %dma_start3A_707 = arith.constant 0 : i32
        %dma_start3A_708 = tpu.memref_slice %arg5[%dma_start3A_705, %dma_start3A_706, %dma_start3A_707] : memref<8x4x1024xf32, #tpu.memory_space<vmem>> -> memref<1x4x1024xf32, #tpu.memory_space<vmem>>
        %dma_start3A_709 = tpu.memref_squeeze %dma_start3A_708 : memref<1x4x1024xf32, #tpu.memory_space<vmem>> -> memref<4x1024xf32, #tpu.memory_space<vmem>>
        %dma_start3A_710 = arith.constant 0 : i32
        %dma_start3A_711 = tpu.memref_slice %arg2[%add3A_704, %dma_start3A_710] : memref<16384x1024xf32, #tpu.memory_space<hbm>> -> memref<4x1024xf32, #tpu.memory_space<hbm>>
        %dma_start3A_712 = arith.constant 0 : i32
        %dma_start3A_713 = arith.constant 0 : i32
        %dma_start3A_714 = tpu.memref_slice %arg5[%dma_start3A_705, %dma_start3A_712, %dma_start3A_713] : memref<8x4x1024xf32, #tpu.memory_space<vmem>> -> memref<1x4x1024xf32, #tpu.memory_space<vmem>>
        %dma_start3A_715 = tpu.memref_squeeze %dma_start3A_714 : memref<1x4x1024xf32, #tpu.memory_space<vmem>> -> memref<4x1024xf32, #tpu.memory_space<vmem>>
        %dma_start3A_716 = arith.constant 0 : i32
        %dma_start3A_717 = tpu.memref_slice %arg2[%add3A_704, %dma_start3A_716] : memref<16384x1024xf32, #tpu.memory_space<hbm>> -> memref<4x1024xf32, #tpu.memory_space<hbm>>
        tpu.enqueue_dma source(%dma_start3A_717 : memref<4x1024xf32, #tpu.memory_space<hbm>>) target(%dma_start3A_715 : memref<4x1024xf32, #tpu.memory_space<vmem>>) target_semaphore(%arg12 : memref<!tpu.dma_semaphore, #tpu.memory_space<semaphore_mem>>)
      } else {
      }
      %mul3A_512 = arith.constant 4 : i32
      %mul3A_513 = arith.muli %add3A_474, %mul3A_512 : i32
      %add3A_514 = arith.addi %mul3A_2, %mul3A_513 : i32
      %dma_start3A_515 = arith.constant 4 : i32
      %dma_start3A_516 = arith.constant 0 : i32
      %dma_start3A_517 = arith.constant 0 : i32
      %dma_start3A_518 = tpu.memref_slice %arg6[%dma_start3A_515, %dma_start3A_516, %dma_start3A_517] : memref<8x4x1024xf32, #tpu.memory_space<vmem>> -> memref<1x4x1024xf32, #tpu.memory_space<vmem>>
      %dma_start3A_519 = tpu.memref_squeeze %dma_start3A_518 : memref<1x4x1024xf32, #tpu.memory_space<vmem>> -> memref<4x1024xf32, #tpu.memory_space<vmem>>
      %dma_start3A_520 = arith.constant 0 : i32
      %dma_start3A_521 = tpu.memref_slice %arg4[%add3A_514, %dma_start3A_520] : memref<16384x1024xf32, #tpu.memory_space<hbm>> -> memref<4x1024xf32, #tpu.memory_space<hbm>>
      %dma_start3A_522 = arith.constant 0 : i32
      %dma_start3A_523 = tpu.memref_slice %arg4[%add3A_514, %dma_start3A_522] : memref<16384x1024xf32, #tpu.memory_space<hbm>> -> memref<4x1024xf32, #tpu.memory_space<hbm>>
      %dma_start3A_524 = arith.constant 0 : i32
      %dma_start3A_525 = arith.constant 0 : i32
      %dma_start3A_526 = tpu.memref_slice %arg6[%dma_start3A_515, %dma_start3A_524, %dma_start3A_525] : memref<8x4x1024xf32, #tpu.memory_space<vmem>> -> memref<1x4x1024xf32, #tpu.memory_space<vmem>>
      %dma_start3A_527 = tpu.memref_squeeze %dma_start3A_526 : memref<1x4x1024xf32, #tpu.memory_space<vmem>> -> memref<4x1024xf32, #tpu.memory_space<vmem>>
      tpu.enqueue_dma source(%dma_start3A_527 : memref<4x1024xf32, #tpu.memory_space<vmem>>) target(%dma_start3A_523 : memref<4x1024xf32, #tpu.memory_space<hbm>>) target_semaphore(%arg20 : memref<!tpu.dma_semaphore, #tpu.memory_space<semaphore_mem>>)
      %mul3A_528 = arith.constant 8 : i32
      %mul3A_529 = arith.muli %scan3A_247, %mul3A_528 : i32
      %add3A_530 = arith.constant 5 : i32
      %add3A_531 = arith.addi %mul3A_529, %add3A_530 : i32
      %mul3A_532 = arith.constant 4 : i32
      %mul3A_533 = arith.muli %add3A_531, %mul3A_532 : i32
      %add3A_534 = arith.addi %mul3A_2, %mul3A_533 : i32
      %dma_wait3A_535 = arith.constant 5 : i32
      %dma_wait3A_536 = arith.constant 0 : i32
      %dma_wait3A_537 = arith.constant 0 : i32
      %dma_wait3A_538 = tpu.memref_slice %arg5[%dma_wait3A_535, %dma_wait3A_536, %dma_wait3A_537] : memref<8x4x1024xf32, #tpu.memory_space<vmem>> -> memref<1x4x1024xf32, #tpu.memory_space<vmem>>
      %dma_wait3A_539 = tpu.memref_squeeze %dma_wait3A_538 : memref<1x4x1024xf32, #tpu.memory_space<vmem>> -> memref<4x1024xf32, #tpu.memory_space<vmem>>
      %dma_wait3A_540 = arith.constant 0 : i32
      %dma_wait3A_541 = tpu.memref_slice %arg2[%add3A_534, %dma_wait3A_540] : memref<16384x1024xf32, #tpu.memory_space<hbm>> -> memref<4x1024xf32, #tpu.memory_space<hbm>>
      %dma_wait3A_542 = arith.constant 0 : i32
      %dma_wait3A_543 = arith.constant 0 : i32
      %dma_wait3A_544 = tpu.memref_slice %arg5[%dma_wait3A_535, %dma_wait3A_542, %dma_wait3A_543] : memref<8x4x1024xf32, #tpu.memory_space<vmem>> -> memref<1x4x1024xf32, #tpu.memory_space<vmem>>
      %dma_wait3A_545 = tpu.memref_squeeze %dma_wait3A_544 : memref<1x4x1024xf32, #tpu.memory_space<vmem>> -> memref<4x1024xf32, #tpu.memory_space<vmem>>
      %dma_wait3A_546 = arith.constant 0 : i32
      %dma_wait3A_547 = tpu.memref_slice %arg2[%add3A_534, %dma_wait3A_546] : memref<16384x1024xf32, #tpu.memory_space<hbm>> -> memref<4x1024xf32, #tpu.memory_space<hbm>>
      tpu.wait_dma2 semaphore(%arg13 : memref<!tpu.dma_semaphore, #tpu.memory_space<semaphore_mem>>) src(%dma_wait3A_547 : memref<4x1024xf32, #tpu.memory_space<hbm>>) dst(%dma_wait3A_545 : memref<4x1024xf32, #tpu.memory_space<vmem>>)
      %gt3A_548 = arith.constant 0 : i32
      %gt3A_549 = arith.cmpi sgt, %scan3A_247, %gt3A_548 : i32
      %convert_element_type3A_550 = arith.extui %gt3A_549 : i1 to i32
      %cond3A_551 = arith.constant 0 : i32
      %cond3A_552 = arith.cmpi ne, %convert_element_type3A_550, %cond3A_551 : i32
      scf.if %cond3A_552 {
        %sub3A = arith.constant 8 : i32
        %sub3A_700 = arith.subi %add3A_531, %sub3A : i32
        %mul3A_701 = arith.constant 4 : i32
        %mul3A_702 = arith.muli %sub3A_700, %mul3A_701 : i32
        %add3A_703 = arith.addi %mul3A_2, %mul3A_702 : i32
        %dma_wait3A_704 = arith.constant 5 : i32
        %dma_wait3A_705 = arith.constant 0 : i32
        %dma_wait3A_706 = arith.constant 0 : i32
        %dma_wait3A_707 = tpu.memref_slice %arg6[%dma_wait3A_704, %dma_wait3A_705, %dma_wait3A_706] : memref<8x4x1024xf32, #tpu.memory_space<vmem>> -> memref<1x4x1024xf32, #tpu.memory_space<vmem>>
        %dma_wait3A_708 = tpu.memref_squeeze %dma_wait3A_707 : memref<1x4x1024xf32, #tpu.memory_space<vmem>> -> memref<4x1024xf32, #tpu.memory_space<vmem>>
        %dma_wait3A_709 = arith.constant 0 : i32
        %dma_wait3A_710 = tpu.memref_slice %arg4[%add3A_703, %dma_wait3A_709] : memref<16384x1024xf32, #tpu.memory_space<hbm>> -> memref<4x1024xf32, #tpu.memory_space<hbm>>
        %dma_wait3A_711 = arith.constant 0 : i32
        %dma_wait3A_712 = tpu.memref_slice %arg4[%add3A_703, %dma_wait3A_711] : memref<16384x1024xf32, #tpu.memory_space<hbm>> -> memref<4x1024xf32, #tpu.memory_space<hbm>>
        %dma_wait3A_713 = arith.constant 0 : i32
        %dma_wait3A_714 = arith.constant 0 : i32
        %dma_wait3A_715 = tpu.memref_slice %arg6[%dma_wait3A_704, %dma_wait3A_713, %dma_wait3A_714] : memref<8x4x1024xf32, #tpu.memory_space<vmem>> -> memref<1x4x1024xf32, #tpu.memory_space<vmem>>
        %dma_wait3A_716 = tpu.memref_squeeze %dma_wait3A_715 : memref<1x4x1024xf32, #tpu.memory_space<vmem>> -> memref<4x1024xf32, #tpu.memory_space<vmem>>
        tpu.wait_dma2 semaphore(%arg21 : memref<!tpu.dma_semaphore, #tpu.memory_space<semaphore_mem>>) src(%dma_wait3A_716 : memref<4x1024xf32, #tpu.memory_space<vmem>>) dst(%dma_wait3A_712 : memref<4x1024xf32, #tpu.memory_space<hbm>>)
      } else {
      }
      %mul3A_553 = arith.constant 4 : i32
      %mul3A_554 = arith.muli %add3A_531, %mul3A_553 : i32
      %get3A_555 = arith.index_cast %mul3A_554 : i32 to index
      %get3A_556 = tpu.vector_load %arg7[%get3A_555] {strides = array<i32>} : memref<528xf32, #tpu.memory_space<vmem>>, vector<16xf32>,
      %get3A_557 = vector.shape_cast %get3A_556 : vector<16xf32> to vector<16xf32>
      %add3A_558 = arith.constant 1.000000e+00 : f32
      %add3A_559 = vector.broadcast %add3A_558 : f32 to vector<16xf32>
      %add3A_560 = arith.addf %add3A_559, %get3A_557 : vector<16xf32>
      %parallel_loop3A_561 = arith.constant 0 : i32
      %parallel_loop3A_562 = arith.constant 4 : i32
      %parallel_loop3A_563 = arith.constant 1 : i32
      scf.for %parallel_loop3A_700 = %parallel_loop3A_561 to %parallel_loop3A_562 step %parallel_loop3A_563  : i32 {
        %parallel_loop3A_701 = vector.broadcast %parallel_loop3A_700 : i32 to vector<16x1xi32>
        %parallel_loop3A_702 = vector.shape_cast %parallel_loop3A_701 : vector<16x1xi32> to vector<16xi32>
        %parallel_loop3A_703 = tpu.dynamic_gather %add3A_560[%parallel_loop3A_702] in [0] : vector<16xf32>, vector<16xi32> -> vector<16xf32>
        %parallel_loop3A_704 = arith.constant 0 : i32
        %parallel_loop3A_705 = arith.constant 1024 : i32
        %parallel_loop3A_706 = arith.constant 16 : i32
        scf.for %parallel_loop3A_707 = %parallel_loop3A_704 to %parallel_loop3A_705 step %parallel_loop3A_706  : i32 {
          %parallel_loop3A_708 = arith.constant 5 : i32
          %parallel_loop3A_709 = arith.index_cast %parallel_loop3A_708 : i32 to index
          %parallel_loop3A_710 = arith.index_cast %parallel_loop3A_700 : i32 to index
          %parallel_loop3A_711 = arith.index_cast %parallel_loop3A_707 : i32 to index
          %parallel_loop3A_712 = tpu.vector_load %arg5[%parallel_loop3A_709, %parallel_loop3A_710, %parallel_loop3A_711] {strides = array<i32>} : memref<8x4x1024xf32, #tpu.memory_space<vmem>>, vector<1x1x16xf32>,
          %parallel_loop3A_713 = vector.shape_cast %parallel_loop3A_712 : vector<1x1x16xf32> to vector<16xf32>
          %parallel_loop3A_714 = arith.mulf %parallel_loop3A_713, %parallel_loop3A_703 : vector<16xf32>
          %parallel_loop3A_715 = arith.constant 5 : i32
          %parallel_loop3A_716 = arith.index_cast %parallel_loop3A_715 : i32 to index
          %parallel_loop3A_717 = arith.index_cast %parallel_loop3A_700 : i32 to index
          %parallel_loop3A_718 = arith.index_cast %parallel_loop3A_707 : i32 to index
          %parallel_loop3A_719 = tpu.vector_load %arg6[%parallel_loop3A_716, %parallel_loop3A_717, %parallel_loop3A_718] {strides = array<i32>} : memref<8x4x1024xf32, #tpu.memory_space<vmem>>, vector<1x1x16xf32>,
          %parallel_loop3A_720 = vector.shape_cast %parallel_loop3A_719 : vector<1x1x16xf32> to vector<16xf32>
          %parallel_loop3A_721 = vector.shape_cast %parallel_loop3A_714 : vector<16xf32> to vector<1x1x16xf32>
          tpu.vector_store %arg6[%parallel_loop3A_716, %parallel_loop3A_717, %parallel_loop3A_718], %parallel_loop3A_721 {strides = array<i32>} : memref<8x4x1024xf32, #tpu.memory_space<vmem>>, vector<1x1x16xf32>,
        } {sc.loop_unroll_factor = 8 : i64, sc.parallel_access}
      } {sc.loop_unroll_factor = 1 : i64, sc.parallel_access}
      %lt3A_564 = arith.constant 15 : i32
      %lt3A_565 = arith.cmpi slt, %scan3A_247, %lt3A_564 : i32
      %convert_element_type3A_566 = arith.extui %lt3A_565 : i1 to i32
      %cond3A_567 = arith.constant 0 : i32
      %cond3A_568 = arith.cmpi ne, %convert_element_type3A_566, %cond3A_567 : i32
      scf.if %cond3A_568 {
        %add3A_700 = arith.constant 8 : i32
        %add3A_701 = arith.addi %add3A_531, %add3A_700 : i32
        %mul3A_702 = arith.constant 4 : i32
        %mul3A_703 = arith.muli %add3A_701, %mul3A_702 : i32
        %add3A_704 = arith.addi %mul3A_2, %mul3A_703 : i32
        %dma_start3A_705 = arith.constant 5 : i32
        %dma_start3A_706 = arith.constant 0 : i32
        %dma_start3A_707 = arith.constant 0 : i32
        %dma_start3A_708 = tpu.memref_slice %arg5[%dma_start3A_705, %dma_start3A_706, %dma_start3A_707] : memref<8x4x1024xf32, #tpu.memory_space<vmem>> -> memref<1x4x1024xf32, #tpu.memory_space<vmem>>
        %dma_start3A_709 = tpu.memref_squeeze %dma_start3A_708 : memref<1x4x1024xf32, #tpu.memory_space<vmem>> -> memref<4x1024xf32, #tpu.memory_space<vmem>>
        %dma_start3A_710 = arith.constant 0 : i32
        %dma_start3A_711 = tpu.memref_slice %arg2[%add3A_704, %dma_start3A_710] : memref<16384x1024xf32, #tpu.memory_space<hbm>> -> memref<4x1024xf32, #tpu.memory_space<hbm>>
        %dma_start3A_712 = arith.constant 0 : i32
        %dma_start3A_713 = arith.constant 0 : i32
        %dma_start3A_714 = tpu.memref_slice %arg5[%dma_start3A_705, %dma_start3A_712, %dma_start3A_713] : memref<8x4x1024xf32, #tpu.memory_space<vmem>> -> memref<1x4x1024xf32, #tpu.memory_space<vmem>>
        %dma_start3A_715 = tpu.memref_squeeze %dma_start3A_714 : memref<1x4x1024xf32, #tpu.memory_space<vmem>> -> memref<4x1024xf32, #tpu.memory_space<vmem>>
        %dma_start3A_716 = arith.constant 0 : i32
        %dma_start3A_717 = tpu.memref_slice %arg2[%add3A_704, %dma_start3A_716] : memref<16384x1024xf32, #tpu.memory_space<hbm>> -> memref<4x1024xf32, #tpu.memory_space<hbm>>
        tpu.enqueue_dma source(%dma_start3A_717 : memref<4x1024xf32, #tpu.memory_space<hbm>>) target(%dma_start3A_715 : memref<4x1024xf32, #tpu.memory_space<vmem>>) target_semaphore(%arg13 : memref<!tpu.dma_semaphore, #tpu.memory_space<semaphore_mem>>)
      } else {
      }
      %mul3A_569 = arith.constant 4 : i32
      %mul3A_570 = arith.muli %add3A_531, %mul3A_569 : i32
      %add3A_571 = arith.addi %mul3A_2, %mul3A_570 : i32
      %dma_start3A_572 = arith.constant 5 : i32
      %dma_start3A_573 = arith.constant 0 : i32
      %dma_start3A_574 = arith.constant 0 : i32
      %dma_start3A_575 = tpu.memref_slice %arg6[%dma_start3A_572, %dma_start3A_573, %dma_start3A_574] : memref<8x4x1024xf32, #tpu.memory_space<vmem>> -> memref<1x4x1024xf32, #tpu.memory_space<vmem>>
      %dma_start3A_576 = tpu.memref_squeeze %dma_start3A_575 : memref<1x4x1024xf32, #tpu.memory_space<vmem>> -> memref<4x1024xf32, #tpu.memory_space<vmem>>
      %dma_start3A_577 = arith.constant 0 : i32
      %dma_start3A_578 = tpu.memref_slice %arg4[%add3A_571, %dma_start3A_577] : memref<16384x1024xf32, #tpu.memory_space<hbm>> -> memref<4x1024xf32, #tpu.memory_space<hbm>>
      %dma_start3A_579 = arith.constant 0 : i32
      %dma_start3A_580 = tpu.memref_slice %arg4[%add3A_571, %dma_start3A_579] : memref<16384x1024xf32, #tpu.memory_space<hbm>> -> memref<4x1024xf32, #tpu.memory_space<hbm>>
      %dma_start3A_581 = arith.constant 0 : i32
      %dma_start3A_582 = arith.constant 0 : i32
      %dma_start3A_583 = tpu.memref_slice %arg6[%dma_start3A_572, %dma_start3A_581, %dma_start3A_582] : memref<8x4x1024xf32, #tpu.memory_space<vmem>> -> memref<1x4x1024xf32, #tpu.memory_space<vmem>>
      %dma_start3A_584 = tpu.memref_squeeze %dma_start3A_583 : memref<1x4x1024xf32, #tpu.memory_space<vmem>> -> memref<4x1024xf32, #tpu.memory_space<vmem>>
      tpu.enqueue_dma source(%dma_start3A_584 : memref<4x1024xf32, #tpu.memory_space<vmem>>) target(%dma_start3A_580 : memref<4x1024xf32, #tpu.memory_space<hbm>>) target_semaphore(%arg21 : memref<!tpu.dma_semaphore, #tpu.memory_space<semaphore_mem>>)
      %mul3A_585 = arith.constant 8 : i32
      %mul3A_586 = arith.muli %scan3A_247, %mul3A_585 : i32
      %add3A_587 = arith.constant 6 : i32
      %add3A_588 = arith.addi %mul3A_586, %add3A_587 : i32
      %mul3A_589 = arith.constant 4 : i32
      %mul3A_590 = arith.muli %add3A_588, %mul3A_589 : i32
      %add3A_591 = arith.addi %mul3A_2, %mul3A_590 : i32
      %dma_wait3A_592 = arith.constant 6 : i32
      %dma_wait3A_593 = arith.constant 0 : i32
      %dma_wait3A_594 = arith.constant 0 : i32
      %dma_wait3A_595 = tpu.memref_slice %arg5[%dma_wait3A_592, %dma_wait3A_593, %dma_wait3A_594] : memref<8x4x1024xf32, #tpu.memory_space<vmem>> -> memref<1x4x1024xf32, #tpu.memory_space<vmem>>
      %dma_wait3A_596 = tpu.memref_squeeze %dma_wait3A_595 : memref<1x4x1024xf32, #tpu.memory_space<vmem>> -> memref<4x1024xf32, #tpu.memory_space<vmem>>
      %dma_wait3A_597 = arith.constant 0 : i32
      %dma_wait3A_598 = tpu.memref_slice %arg2[%add3A_591, %dma_wait3A_597] : memref<16384x1024xf32, #tpu.memory_space<hbm>> -> memref<4x1024xf32, #tpu.memory_space<hbm>>
      %dma_wait3A_599 = arith.constant 0 : i32
      %dma_wait3A_600 = arith.constant 0 : i32
      %dma_wait3A_601 = tpu.memref_slice %arg5[%dma_wait3A_592, %dma_wait3A_599, %dma_wait3A_600] : memref<8x4x1024xf32, #tpu.memory_space<vmem>> -> memref<1x4x1024xf32, #tpu.memory_space<vmem>>
      %dma_wait3A_602 = tpu.memref_squeeze %dma_wait3A_601 : memref<1x4x1024xf32, #tpu.memory_space<vmem>> -> memref<4x1024xf32, #tpu.memory_space<vmem>>
      %dma_wait3A_603 = arith.constant 0 : i32
      %dma_wait3A_604 = tpu.memref_slice %arg2[%add3A_591, %dma_wait3A_603] : memref<16384x1024xf32, #tpu.memory_space<hbm>> -> memref<4x1024xf32, #tpu.memory_space<hbm>>
      tpu.wait_dma2 semaphore(%arg14 : memref<!tpu.dma_semaphore, #tpu.memory_space<semaphore_mem>>) src(%dma_wait3A_604 : memref<4x1024xf32, #tpu.memory_space<hbm>>) dst(%dma_wait3A_602 : memref<4x1024xf32, #tpu.memory_space<vmem>>)
      %gt3A_605 = arith.constant 0 : i32
      %gt3A_606 = arith.cmpi sgt, %scan3A_247, %gt3A_605 : i32
      %convert_element_type3A_607 = arith.extui %gt3A_606 : i1 to i32
      %cond3A_608 = arith.constant 0 : i32
      %cond3A_609 = arith.cmpi ne, %convert_element_type3A_607, %cond3A_608 : i32
      scf.if %cond3A_609 {
        %sub3A = arith.constant 8 : i32
        %sub3A_700 = arith.subi %add3A_588, %sub3A : i32
        %mul3A_701 = arith.constant 4 : i32
        %mul3A_702 = arith.muli %sub3A_700, %mul3A_701 : i32
        %add3A_703 = arith.addi %mul3A_2, %mul3A_702 : i32
        %dma_wait3A_704 = arith.constant 6 : i32
        %dma_wait3A_705 = arith.constant 0 : i32
        %dma_wait3A_706 = arith.constant 0 : i32
        %dma_wait3A_707 = tpu.memref_slice %arg6[%dma_wait3A_704, %dma_wait3A_705, %dma_wait3A_706] : memref<8x4x1024xf32, #tpu.memory_space<vmem>> -> memref<1x4x1024xf32, #tpu.memory_space<vmem>>
        %dma_wait3A_708 = tpu.memref_squeeze %dma_wait3A_707 : memref<1x4x1024xf32, #tpu.memory_space<vmem>> -> memref<4x1024xf32, #tpu.memory_space<vmem>>
        %dma_wait3A_709 = arith.constant 0 : i32
        %dma_wait3A_710 = tpu.memref_slice %arg4[%add3A_703, %dma_wait3A_709] : memref<16384x1024xf32, #tpu.memory_space<hbm>> -> memref<4x1024xf32, #tpu.memory_space<hbm>>
        %dma_wait3A_711 = arith.constant 0 : i32
        %dma_wait3A_712 = tpu.memref_slice %arg4[%add3A_703, %dma_wait3A_711] : memref<16384x1024xf32, #tpu.memory_space<hbm>> -> memref<4x1024xf32, #tpu.memory_space<hbm>>
        %dma_wait3A_713 = arith.constant 0 : i32
        %dma_wait3A_714 = arith.constant 0 : i32
        %dma_wait3A_715 = tpu.memref_slice %arg6[%dma_wait3A_704, %dma_wait3A_713, %dma_wait3A_714] : memref<8x4x1024xf32, #tpu.memory_space<vmem>> -> memref<1x4x1024xf32, #tpu.memory_space<vmem>>
        %dma_wait3A_716 = tpu.memref_squeeze %dma_wait3A_715 : memref<1x4x1024xf32, #tpu.memory_space<vmem>> -> memref<4x1024xf32, #tpu.memory_space<vmem>>
        tpu.wait_dma2 semaphore(%arg22 : memref<!tpu.dma_semaphore, #tpu.memory_space<semaphore_mem>>) src(%dma_wait3A_716 : memref<4x1024xf32, #tpu.memory_space<vmem>>) dst(%dma_wait3A_712 : memref<4x1024xf32, #tpu.memory_space<hbm>>)
      } else {
      }
      %mul3A_610 = arith.constant 4 : i32
      %mul3A_611 = arith.muli %add3A_588, %mul3A_610 : i32
      %get3A_612 = arith.index_cast %mul3A_611 : i32 to index
      %get3A_613 = tpu.vector_load %arg7[%get3A_612] {strides = array<i32>} : memref<528xf32, #tpu.memory_space<vmem>>, vector<16xf32>,
      %get3A_614 = vector.shape_cast %get3A_613 : vector<16xf32> to vector<16xf32>
      %add3A_615 = arith.constant 1.000000e+00 : f32
      %add3A_616 = vector.broadcast %add3A_615 : f32 to vector<16xf32>
      %add3A_617 = arith.addf %add3A_616, %get3A_614 : vector<16xf32>
      %parallel_loop3A_618 = arith.constant 0 : i32
      %parallel_loop3A_619 = arith.constant 4 : i32
      %parallel_loop3A_620 = arith.constant 1 : i32
      scf.for %parallel_loop3A_700 = %parallel_loop3A_618 to %parallel_loop3A_619 step %parallel_loop3A_620  : i32 {
        %parallel_loop3A_701 = vector.broadcast %parallel_loop3A_700 : i32 to vector<16x1xi32>
        %parallel_loop3A_702 = vector.shape_cast %parallel_loop3A_701 : vector<16x1xi32> to vector<16xi32>
        %parallel_loop3A_703 = tpu.dynamic_gather %add3A_617[%parallel_loop3A_702] in [0] : vector<16xf32>, vector<16xi32> -> vector<16xf32>
        %parallel_loop3A_704 = arith.constant 0 : i32
        %parallel_loop3A_705 = arith.constant 1024 : i32
        %parallel_loop3A_706 = arith.constant 16 : i32
        scf.for %parallel_loop3A_707 = %parallel_loop3A_704 to %parallel_loop3A_705 step %parallel_loop3A_706  : i32 {
          %parallel_loop3A_708 = arith.constant 6 : i32
          %parallel_loop3A_709 = arith.index_cast %parallel_loop3A_708 : i32 to index
          %parallel_loop3A_710 = arith.index_cast %parallel_loop3A_700 : i32 to index
          %parallel_loop3A_711 = arith.index_cast %parallel_loop3A_707 : i32 to index
          %parallel_loop3A_712 = tpu.vector_load %arg5[%parallel_loop3A_709, %parallel_loop3A_710, %parallel_loop3A_711] {strides = array<i32>} : memref<8x4x1024xf32, #tpu.memory_space<vmem>>, vector<1x1x16xf32>,
          %parallel_loop3A_713 = vector.shape_cast %parallel_loop3A_712 : vector<1x1x16xf32> to vector<16xf32>
          %parallel_loop3A_714 = arith.mulf %parallel_loop3A_713, %parallel_loop3A_703 : vector<16xf32>
          %parallel_loop3A_715 = arith.constant 6 : i32
          %parallel_loop3A_716 = arith.index_cast %parallel_loop3A_715 : i32 to index
          %parallel_loop3A_717 = arith.index_cast %parallel_loop3A_700 : i32 to index
          %parallel_loop3A_718 = arith.index_cast %parallel_loop3A_707 : i32 to index
          %parallel_loop3A_719 = tpu.vector_load %arg6[%parallel_loop3A_716, %parallel_loop3A_717, %parallel_loop3A_718] {strides = array<i32>} : memref<8x4x1024xf32, #tpu.memory_space<vmem>>, vector<1x1x16xf32>,
          %parallel_loop3A_720 = vector.shape_cast %parallel_loop3A_719 : vector<1x1x16xf32> to vector<16xf32>
          %parallel_loop3A_721 = vector.shape_cast %parallel_loop3A_714 : vector<16xf32> to vector<1x1x16xf32>
          tpu.vector_store %arg6[%parallel_loop3A_716, %parallel_loop3A_717, %parallel_loop3A_718], %parallel_loop3A_721 {strides = array<i32>} : memref<8x4x1024xf32, #tpu.memory_space<vmem>>, vector<1x1x16xf32>,
        } {sc.loop_unroll_factor = 8 : i64, sc.parallel_access}
      } {sc.loop_unroll_factor = 1 : i64, sc.parallel_access}
      %lt3A_621 = arith.constant 15 : i32
      %lt3A_622 = arith.cmpi slt, %scan3A_247, %lt3A_621 : i32
      %convert_element_type3A_623 = arith.extui %lt3A_622 : i1 to i32
      %cond3A_624 = arith.constant 0 : i32
      %cond3A_625 = arith.cmpi ne, %convert_element_type3A_623, %cond3A_624 : i32
      scf.if %cond3A_625 {
        %add3A_700 = arith.constant 8 : i32
        %add3A_701 = arith.addi %add3A_588, %add3A_700 : i32
        %mul3A_702 = arith.constant 4 : i32
        %mul3A_703 = arith.muli %add3A_701, %mul3A_702 : i32
        %add3A_704 = arith.addi %mul3A_2, %mul3A_703 : i32
        %dma_start3A_705 = arith.constant 6 : i32
        %dma_start3A_706 = arith.constant 0 : i32
        %dma_start3A_707 = arith.constant 0 : i32
        %dma_start3A_708 = tpu.memref_slice %arg5[%dma_start3A_705, %dma_start3A_706, %dma_start3A_707] : memref<8x4x1024xf32, #tpu.memory_space<vmem>> -> memref<1x4x1024xf32, #tpu.memory_space<vmem>>
        %dma_start3A_709 = tpu.memref_squeeze %dma_start3A_708 : memref<1x4x1024xf32, #tpu.memory_space<vmem>> -> memref<4x1024xf32, #tpu.memory_space<vmem>>
        %dma_start3A_710 = arith.constant 0 : i32
        %dma_start3A_711 = tpu.memref_slice %arg2[%add3A_704, %dma_start3A_710] : memref<16384x1024xf32, #tpu.memory_space<hbm>> -> memref<4x1024xf32, #tpu.memory_space<hbm>>
        %dma_start3A_712 = arith.constant 0 : i32
        %dma_start3A_713 = arith.constant 0 : i32
        %dma_start3A_714 = tpu.memref_slice %arg5[%dma_start3A_705, %dma_start3A_712, %dma_start3A_713] : memref<8x4x1024xf32, #tpu.memory_space<vmem>> -> memref<1x4x1024xf32, #tpu.memory_space<vmem>>
        %dma_start3A_715 = tpu.memref_squeeze %dma_start3A_714 : memref<1x4x1024xf32, #tpu.memory_space<vmem>> -> memref<4x1024xf32, #tpu.memory_space<vmem>>
        %dma_start3A_716 = arith.constant 0 : i32
        %dma_start3A_717 = tpu.memref_slice %arg2[%add3A_704, %dma_start3A_716] : memref<16384x1024xf32, #tpu.memory_space<hbm>> -> memref<4x1024xf32, #tpu.memory_space<hbm>>
        tpu.enqueue_dma source(%dma_start3A_717 : memref<4x1024xf32, #tpu.memory_space<hbm>>) target(%dma_start3A_715 : memref<4x1024xf32, #tpu.memory_space<vmem>>) target_semaphore(%arg14 : memref<!tpu.dma_semaphore, #tpu.memory_space<semaphore_mem>>)
      } else {
      }
      %mul3A_626 = arith.constant 4 : i32
      %mul3A_627 = arith.muli %add3A_588, %mul3A_626 : i32
      %add3A_628 = arith.addi %mul3A_2, %mul3A_627 : i32
      %dma_start3A_629 = arith.constant 6 : i32
      %dma_start3A_630 = arith.constant 0 : i32
      %dma_start3A_631 = arith.constant 0 : i32
      %dma_start3A_632 = tpu.memref_slice %arg6[%dma_start3A_629, %dma_start3A_630, %dma_start3A_631] : memref<8x4x1024xf32, #tpu.memory_space<vmem>> -> memref<1x4x1024xf32, #tpu.memory_space<vmem>>
      %dma_start3A_633 = tpu.memref_squeeze %dma_start3A_632 : memref<1x4x1024xf32, #tpu.memory_space<vmem>> -> memref<4x1024xf32, #tpu.memory_space<vmem>>
      %dma_start3A_634 = arith.constant 0 : i32
      %dma_start3A_635 = tpu.memref_slice %arg4[%add3A_628, %dma_start3A_634] : memref<16384x1024xf32, #tpu.memory_space<hbm>> -> memref<4x1024xf32, #tpu.memory_space<hbm>>
      %dma_start3A_636 = arith.constant 0 : i32
      %dma_start3A_637 = tpu.memref_slice %arg4[%add3A_628, %dma_start3A_636] : memref<16384x1024xf32, #tpu.memory_space<hbm>> -> memref<4x1024xf32, #tpu.memory_space<hbm>>
      %dma_start3A_638 = arith.constant 0 : i32
      %dma_start3A_639 = arith.constant 0 : i32
      %dma_start3A_640 = tpu.memref_slice %arg6[%dma_start3A_629, %dma_start3A_638, %dma_start3A_639] : memref<8x4x1024xf32, #tpu.memory_space<vmem>> -> memref<1x4x1024xf32, #tpu.memory_space<vmem>>
      %dma_start3A_641 = tpu.memref_squeeze %dma_start3A_640 : memref<1x4x1024xf32, #tpu.memory_space<vmem>> -> memref<4x1024xf32, #tpu.memory_space<vmem>>
      tpu.enqueue_dma source(%dma_start3A_641 : memref<4x1024xf32, #tpu.memory_space<vmem>>) target(%dma_start3A_637 : memref<4x1024xf32, #tpu.memory_space<hbm>>) target_semaphore(%arg22 : memref<!tpu.dma_semaphore, #tpu.memory_space<semaphore_mem>>)
      %mul3A_642 = arith.constant 8 : i32
      %mul3A_643 = arith.muli %scan3A_247, %mul3A_642 : i32
      %add3A_644 = arith.constant 7 : i32
      %add3A_645 = arith.addi %mul3A_643, %add3A_644 : i32
      %mul3A_646 = arith.constant 4 : i32
      %mul3A_647 = arith.muli %add3A_645, %mul3A_646 : i32
      %add3A_648 = arith.addi %mul3A_2, %mul3A_647 : i32
      %dma_wait3A_649 = arith.constant 7 : i32
      %dma_wait3A_650 = arith.constant 0 : i32
      %dma_wait3A_651 = arith.constant 0 : i32
      %dma_wait3A_652 = tpu.memref_slice %arg5[%dma_wait3A_649, %dma_wait3A_650, %dma_wait3A_651] : memref<8x4x1024xf32, #tpu.memory_space<vmem>> -> memref<1x4x1024xf32, #tpu.memory_space<vmem>>
      %dma_wait3A_653 = tpu.memref_squeeze %dma_wait3A_652 : memref<1x4x1024xf32, #tpu.memory_space<vmem>> -> memref<4x1024xf32, #tpu.memory_space<vmem>>
      %dma_wait3A_654 = arith.constant 0 : i32
      %dma_wait3A_655 = tpu.memref_slice %arg2[%add3A_648, %dma_wait3A_654] : memref<16384x1024xf32, #tpu.memory_space<hbm>> -> memref<4x1024xf32, #tpu.memory_space<hbm>>
      %dma_wait3A_656 = arith.constant 0 : i32
      %dma_wait3A_657 = arith.constant 0 : i32
      %dma_wait3A_658 = tpu.memref_slice %arg5[%dma_wait3A_649, %dma_wait3A_656, %dma_wait3A_657] : memref<8x4x1024xf32, #tpu.memory_space<vmem>> -> memref<1x4x1024xf32, #tpu.memory_space<vmem>>
      %dma_wait3A_659 = tpu.memref_squeeze %dma_wait3A_658 : memref<1x4x1024xf32, #tpu.memory_space<vmem>> -> memref<4x1024xf32, #tpu.memory_space<vmem>>
      %dma_wait3A_660 = arith.constant 0 : i32
      %dma_wait3A_661 = tpu.memref_slice %arg2[%add3A_648, %dma_wait3A_660] : memref<16384x1024xf32, #tpu.memory_space<hbm>> -> memref<4x1024xf32, #tpu.memory_space<hbm>>
      tpu.wait_dma2 semaphore(%arg15 : memref<!tpu.dma_semaphore, #tpu.memory_space<semaphore_mem>>) src(%dma_wait3A_661 : memref<4x1024xf32, #tpu.memory_space<hbm>>) dst(%dma_wait3A_659 : memref<4x1024xf32, #tpu.memory_space<vmem>>)
      %gt3A_662 = arith.constant 0 : i32
      %gt3A_663 = arith.cmpi sgt, %scan3A_247, %gt3A_662 : i32
      %convert_element_type3A_664 = arith.extui %gt3A_663 : i1 to i32
      %cond3A_665 = arith.constant 0 : i32
      %cond3A_666 = arith.cmpi ne, %convert_element_type3A_664, %cond3A_665 : i32
      scf.if %cond3A_666 {
        %sub3A = arith.constant 8 : i32
        %sub3A_700 = arith.subi %add3A_645, %sub3A : i32
        %mul3A_701 = arith.constant 4 : i32
        %mul3A_702 = arith.muli %sub3A_700, %mul3A_701 : i32
        %add3A_703 = arith.addi %mul3A_2, %mul3A_702 : i32
        %dma_wait3A_704 = arith.constant 7 : i32
        %dma_wait3A_705 = arith.constant 0 : i32
        %dma_wait3A_706 = arith.constant 0 : i32
        %dma_wait3A_707 = tpu.memref_slice %arg6[%dma_wait3A_704, %dma_wait3A_705, %dma_wait3A_706] : memref<8x4x1024xf32, #tpu.memory_space<vmem>> -> memref<1x4x1024xf32, #tpu.memory_space<vmem>>
        %dma_wait3A_708 = tpu.memref_squeeze %dma_wait3A_707 : memref<1x4x1024xf32, #tpu.memory_space<vmem>> -> memref<4x1024xf32, #tpu.memory_space<vmem>>
        %dma_wait3A_709 = arith.constant 0 : i32
        %dma_wait3A_710 = tpu.memref_slice %arg4[%add3A_703, %dma_wait3A_709] : memref<16384x1024xf32, #tpu.memory_space<hbm>> -> memref<4x1024xf32, #tpu.memory_space<hbm>>
        %dma_wait3A_711 = arith.constant 0 : i32
        %dma_wait3A_712 = tpu.memref_slice %arg4[%add3A_703, %dma_wait3A_711] : memref<16384x1024xf32, #tpu.memory_space<hbm>> -> memref<4x1024xf32, #tpu.memory_space<hbm>>
        %dma_wait3A_713 = arith.constant 0 : i32
        %dma_wait3A_714 = arith.constant 0 : i32
        %dma_wait3A_715 = tpu.memref_slice %arg6[%dma_wait3A_704, %dma_wait3A_713, %dma_wait3A_714] : memref<8x4x1024xf32, #tpu.memory_space<vmem>> -> memref<1x4x1024xf32, #tpu.memory_space<vmem>>
        %dma_wait3A_716 = tpu.memref_squeeze %dma_wait3A_715 : memref<1x4x1024xf32, #tpu.memory_space<vmem>> -> memref<4x1024xf32, #tpu.memory_space<vmem>>
        tpu.wait_dma2 semaphore(%arg23 : memref<!tpu.dma_semaphore, #tpu.memory_space<semaphore_mem>>) src(%dma_wait3A_716 : memref<4x1024xf32, #tpu.memory_space<vmem>>) dst(%dma_wait3A_712 : memref<4x1024xf32, #tpu.memory_space<hbm>>)
      } else {
      }
      %mul3A_667 = arith.constant 4 : i32
      %mul3A_668 = arith.muli %add3A_645, %mul3A_667 : i32
      %get3A_669 = arith.index_cast %mul3A_668 : i32 to index
      %get3A_670 = tpu.vector_load %arg7[%get3A_669] {strides = array<i32>} : memref<528xf32, #tpu.memory_space<vmem>>, vector<16xf32>,
      %get3A_671 = vector.shape_cast %get3A_670 : vector<16xf32> to vector<16xf32>
      %add3A_672 = arith.constant 1.000000e+00 : f32
      %add3A_673 = vector.broadcast %add3A_672 : f32 to vector<16xf32>
      %add3A_674 = arith.addf %add3A_673, %get3A_671 : vector<16xf32>
      %parallel_loop3A_675 = arith.constant 0 : i32
      %parallel_loop3A_676 = arith.constant 4 : i32
      %parallel_loop3A_677 = arith.constant 1 : i32
      scf.for %parallel_loop3A_700 = %parallel_loop3A_675 to %parallel_loop3A_676 step %parallel_loop3A_677  : i32 {
        %parallel_loop3A_701 = vector.broadcast %parallel_loop3A_700 : i32 to vector<16x1xi32>
        %parallel_loop3A_702 = vector.shape_cast %parallel_loop3A_701 : vector<16x1xi32> to vector<16xi32>
        %parallel_loop3A_703 = tpu.dynamic_gather %add3A_674[%parallel_loop3A_702] in [0] : vector<16xf32>, vector<16xi32> -> vector<16xf32>
        %parallel_loop3A_704 = arith.constant 0 : i32
        %parallel_loop3A_705 = arith.constant 1024 : i32
        %parallel_loop3A_706 = arith.constant 16 : i32
        scf.for %parallel_loop3A_707 = %parallel_loop3A_704 to %parallel_loop3A_705 step %parallel_loop3A_706  : i32 {
          %parallel_loop3A_708 = arith.constant 7 : i32
          %parallel_loop3A_709 = arith.index_cast %parallel_loop3A_708 : i32 to index
          %parallel_loop3A_710 = arith.index_cast %parallel_loop3A_700 : i32 to index
          %parallel_loop3A_711 = arith.index_cast %parallel_loop3A_707 : i32 to index
          %parallel_loop3A_712 = tpu.vector_load %arg5[%parallel_loop3A_709, %parallel_loop3A_710, %parallel_loop3A_711] {strides = array<i32>} : memref<8x4x1024xf32, #tpu.memory_space<vmem>>, vector<1x1x16xf32>,
          %parallel_loop3A_713 = vector.shape_cast %parallel_loop3A_712 : vector<1x1x16xf32> to vector<16xf32>
          %parallel_loop3A_714 = arith.mulf %parallel_loop3A_713, %parallel_loop3A_703 : vector<16xf32>
          %parallel_loop3A_715 = arith.constant 7 : i32
          %parallel_loop3A_716 = arith.index_cast %parallel_loop3A_715 : i32 to index
          %parallel_loop3A_717 = arith.index_cast %parallel_loop3A_700 : i32 to index
          %parallel_loop3A_718 = arith.index_cast %parallel_loop3A_707 : i32 to index
          %parallel_loop3A_719 = tpu.vector_load %arg6[%parallel_loop3A_716, %parallel_loop3A_717, %parallel_loop3A_718] {strides = array<i32>} : memref<8x4x1024xf32, #tpu.memory_space<vmem>>, vector<1x1x16xf32>,
          %parallel_loop3A_720 = vector.shape_cast %parallel_loop3A_719 : vector<1x1x16xf32> to vector<16xf32>
          %parallel_loop3A_721 = vector.shape_cast %parallel_loop3A_714 : vector<16xf32> to vector<1x1x16xf32>
          tpu.vector_store %arg6[%parallel_loop3A_716, %parallel_loop3A_717, %parallel_loop3A_718], %parallel_loop3A_721 {strides = array<i32>} : memref<8x4x1024xf32, #tpu.memory_space<vmem>>, vector<1x1x16xf32>,
        } {sc.loop_unroll_factor = 8 : i64, sc.parallel_access}
      } {sc.loop_unroll_factor = 1 : i64, sc.parallel_access}
      %lt3A_678 = arith.constant 15 : i32
      %lt3A_679 = arith.cmpi slt, %scan3A_247, %lt3A_678 : i32
      %convert_element_type3A_680 = arith.extui %lt3A_679 : i1 to i32
      %cond3A_681 = arith.constant 0 : i32
      %cond3A_682 = arith.cmpi ne, %convert_element_type3A_680, %cond3A_681 : i32
      scf.if %cond3A_682 {
        %add3A_700 = arith.constant 8 : i32
        %add3A_701 = arith.addi %add3A_645, %add3A_700 : i32
        %mul3A_702 = arith.constant 4 : i32
        %mul3A_703 = arith.muli %add3A_701, %mul3A_702 : i32
        %add3A_704 = arith.addi %mul3A_2, %mul3A_703 : i32
        %dma_start3A_705 = arith.constant 7 : i32
        %dma_start3A_706 = arith.constant 0 : i32
        %dma_start3A_707 = arith.constant 0 : i32
        %dma_start3A_708 = tpu.memref_slice %arg5[%dma_start3A_705, %dma_start3A_706, %dma_start3A_707] : memref<8x4x1024xf32, #tpu.memory_space<vmem>> -> memref<1x4x1024xf32, #tpu.memory_space<vmem>>
        %dma_start3A_709 = tpu.memref_squeeze %dma_start3A_708 : memref<1x4x1024xf32, #tpu.memory_space<vmem>> -> memref<4x1024xf32, #tpu.memory_space<vmem>>
        %dma_start3A_710 = arith.constant 0 : i32
        %dma_start3A_711 = tpu.memref_slice %arg2[%add3A_704, %dma_start3A_710] : memref<16384x1024xf32, #tpu.memory_space<hbm>> -> memref<4x1024xf32, #tpu.memory_space<hbm>>
        %dma_start3A_712 = arith.constant 0 : i32
        %dma_start3A_713 = arith.constant 0 : i32
        %dma_start3A_714 = tpu.memref_slice %arg5[%dma_start3A_705, %dma_start3A_712, %dma_start3A_713] : memref<8x4x1024xf32, #tpu.memory_space<vmem>> -> memref<1x4x1024xf32, #tpu.memory_space<vmem>>
        %dma_start3A_715 = tpu.memref_squeeze %dma_start3A_714 : memref<1x4x1024xf32, #tpu.memory_space<vmem>> -> memref<4x1024xf32, #tpu.memory_space<vmem>>
        %dma_start3A_716 = arith.constant 0 : i32
        %dma_start3A_717 = tpu.memref_slice %arg2[%add3A_704, %dma_start3A_716] : memref<16384x1024xf32, #tpu.memory_space<hbm>> -> memref<4x1024xf32, #tpu.memory_space<hbm>>
        tpu.enqueue_dma source(%dma_start3A_717 : memref<4x1024xf32, #tpu.memory_space<hbm>>) target(%dma_start3A_715 : memref<4x1024xf32, #tpu.memory_space<vmem>>) target_semaphore(%arg15 : memref<!tpu.dma_semaphore, #tpu.memory_space<semaphore_mem>>)
      } else {
      }
      %mul3A_683 = arith.constant 4 : i32
      %mul3A_684 = arith.muli %add3A_645, %mul3A_683 : i32
      %add3A_685 = arith.addi %mul3A_2, %mul3A_684 : i32
      %dma_start3A_686 = arith.constant 7 : i32
      %dma_start3A_687 = arith.constant 0 : i32
      %dma_start3A_688 = arith.constant 0 : i32
      %dma_start3A_689 = tpu.memref_slice %arg6[%dma_start3A_686, %dma_start3A_687, %dma_start3A_688] : memref<8x4x1024xf32, #tpu.memory_space<vmem>> -> memref<1x4x1024xf32, #tpu.memory_space<vmem>>
      %dma_start3A_690 = tpu.memref_squeeze %dma_start3A_689 : memref<1x4x1024xf32, #tpu.memory_space<vmem>> -> memref<4x1024xf32, #tpu.memory_space<vmem>>
      %dma_start3A_691 = arith.constant 0 : i32
      %dma_start3A_692 = tpu.memref_slice %arg4[%add3A_685, %dma_start3A_691] : memref<16384x1024xf32, #tpu.memory_space<hbm>> -> memref<4x1024xf32, #tpu.memory_space<hbm>>
      %dma_start3A_693 = arith.constant 0 : i32
      %dma_start3A_694 = tpu.memref_slice %arg4[%add3A_685, %dma_start3A_693] : memref<16384x1024xf32, #tpu.memory_space<hbm>> -> memref<4x1024xf32, #tpu.memory_space<hbm>>
      %dma_start3A_695 = arith.constant 0 : i32
      %dma_start3A_696 = arith.constant 0 : i32
      %dma_start3A_697 = tpu.memref_slice %arg6[%dma_start3A_686, %dma_start3A_695, %dma_start3A_696] : memref<8x4x1024xf32, #tpu.memory_space<vmem>> -> memref<1x4x1024xf32, #tpu.memory_space<vmem>>
      %dma_start3A_698 = tpu.memref_squeeze %dma_start3A_697 : memref<1x4x1024xf32, #tpu.memory_space<vmem>> -> memref<4x1024xf32, #tpu.memory_space<vmem>>
      tpu.enqueue_dma source(%dma_start3A_698 : memref<4x1024xf32, #tpu.memory_space<vmem>>) target(%dma_start3A_694 : memref<4x1024xf32, #tpu.memory_space<hbm>>) target_semaphore(%arg23 : memref<!tpu.dma_semaphore, #tpu.memory_space<semaphore_mem>>)
      %scan3A_699 = arith.constant 0 : i32
      scf.yield %scan3A_699 : i32
    }
    %scan3A_127 = arith.constant 16 : i32
    %add3A_128 = arith.constant 480 : i32
    %add3A_129 = arith.addi %mul3A_2, %add3A_128 : i32
    %dma_wait3A = arith.constant 0 : i32
    %dma_wait3A_130 = arith.constant 0 : i32
    %dma_wait3A_131 = arith.constant 0 : i32
    %dma_wait3A_132 = tpu.memref_slice %arg6[%dma_wait3A, %dma_wait3A_130, %dma_wait3A_131] : memref<8x4x1024xf32, #tpu.memory_space<vmem>> -> memref<1x4x1024xf32, #tpu.memory_space<vmem>>
    %dma_wait3A_133 = tpu.memref_squeeze %dma_wait3A_132 : memref<1x4x1024xf32, #tpu.memory_space<vmem>> -> memref<4x1024xf32, #tpu.memory_space<vmem>>
    %dma_wait3A_134 = arith.constant 0 : i32
    %dma_wait3A_135 = tpu.memref_slice %arg4[%add3A_129, %dma_wait3A_134] : memref<16384x1024xf32, #tpu.memory_space<hbm>> -> memref<4x1024xf32, #tpu.memory_space<hbm>>
    %dma_wait3A_136 = arith.constant 0 : i32
    %dma_wait3A_137 = tpu.memref_slice %arg4[%add3A_129, %dma_wait3A_136] : memref<16384x1024xf32, #tpu.memory_space<hbm>> -> memref<4x1024xf32, #tpu.memory_space<hbm>>
    %dma_wait3A_138 = arith.constant 0 : i32
    %dma_wait3A_139 = arith.constant 0 : i32
    %dma_wait3A_140 = tpu.memref_slice %arg6[%dma_wait3A, %dma_wait3A_138, %dma_wait3A_139] : memref<8x4x1024xf32, #tpu.memory_space<vmem>> -> memref<1x4x1024xf32, #tpu.memory_space<vmem>>
    %dma_wait3A_141 = tpu.memref_squeeze %dma_wait3A_140 : memref<1x4x1024xf32, #tpu.memory_space<vmem>> -> memref<4x1024xf32, #tpu.memory_space<vmem>>
    tpu.wait_dma2 semaphore(%arg16 : memref<!tpu.dma_semaphore, #tpu.memory_space<semaphore_mem>>) src(%dma_wait3A_141 : memref<4x1024xf32, #tpu.memory_space<vmem>>) dst(%dma_wait3A_137 : memref<4x1024xf32, #tpu.memory_space<hbm>>)
    %add3A_142 = arith.constant 484 : i32
    %add3A_143 = arith.addi %mul3A_2, %add3A_142 : i32
    %dma_wait3A_144 = arith.constant 1 : i32
    %dma_wait3A_145 = arith.constant 0 : i32
    %dma_wait3A_146 = arith.constant 0 : i32
    %dma_wait3A_147 = tpu.memref_slice %arg6[%dma_wait3A_144, %dma_wait3A_145, %dma_wait3A_146] : memref<8x4x1024xf32, #tpu.memory_space<vmem>> -> memref<1x4x1024xf32, #tpu.memory_space<vmem>>
    %dma_wait3A_148 = tpu.memref_squeeze %dma_wait3A_147 : memref<1x4x1024xf32, #tpu.memory_space<vmem>> -> memref<4x1024xf32, #tpu.memory_space<vmem>>
    %dma_wait3A_149 = arith.constant 0 : i32
    %dma_wait3A_150 = tpu.memref_slice %arg4[%add3A_143, %dma_wait3A_149] : memref<16384x1024xf32, #tpu.memory_space<hbm>> -> memref<4x1024xf32, #tpu.memory_space<hbm>>
    %dma_wait3A_151 = arith.constant 0 : i32
    %dma_wait3A_152 = tpu.memref_slice %arg4[%add3A_143, %dma_wait3A_151] : memref<16384x1024xf32, #tpu.memory_space<hbm>> -> memref<4x1024xf32, #tpu.memory_space<hbm>>
    %dma_wait3A_153 = arith.constant 0 : i32
    %dma_wait3A_154 = arith.constant 0 : i32
    %dma_wait3A_155 = tpu.memref_slice %arg6[%dma_wait3A_144, %dma_wait3A_153, %dma_wait3A_154] : memref<8x4x1024xf32, #tpu.memory_space<vmem>> -> memref<1x4x1024xf32, #tpu.memory_space<vmem>>
    %dma_wait3A_156 = tpu.memref_squeeze %dma_wait3A_155 : memref<1x4x1024xf32, #tpu.memory_space<vmem>> -> memref<4x1024xf32, #tpu.memory_space<vmem>>
    tpu.wait_dma2 semaphore(%arg17 : memref<!tpu.dma_semaphore, #tpu.memory_space<semaphore_mem>>) src(%dma_wait3A_156 : memref<4x1024xf32, #tpu.memory_space<vmem>>) dst(%dma_wait3A_152 : memref<4x1024xf32, #tpu.memory_space<hbm>>)
    %add3A_157 = arith.constant 488 : i32
    %add3A_158 = arith.addi %mul3A_2, %add3A_157 : i32
    %dma_wait3A_159 = arith.constant 2 : i32
    %dma_wait3A_160 = arith.constant 0 : i32
    %dma_wait3A_161 = arith.constant 0 : i32
    %dma_wait3A_162 = tpu.memref_slice %arg6[%dma_wait3A_159, %dma_wait3A_160, %dma_wait3A_161] : memref<8x4x1024xf32, #tpu.memory_space<vmem>> -> memref<1x4x1024xf32, #tpu.memory_space<vmem>>
    %dma_wait3A_163 = tpu.memref_squeeze %dma_wait3A_162 : memref<1x4x1024xf32, #tpu.memory_space<vmem>> -> memref<4x1024xf32, #tpu.memory_space<vmem>>
    %dma_wait3A_164 = arith.constant 0 : i32
    %dma_wait3A_165 = tpu.memref_slice %arg4[%add3A_158, %dma_wait3A_164] : memref<16384x1024xf32, #tpu.memory_space<hbm>> -> memref<4x1024xf32, #tpu.memory_space<hbm>>
    %dma_wait3A_166 = arith.constant 0 : i32
    %dma_wait3A_167 = tpu.memref_slice %arg4[%add3A_158, %dma_wait3A_166] : memref<16384x1024xf32, #tpu.memory_space<hbm>> -> memref<4x1024xf32, #tpu.memory_space<hbm>>
    %dma_wait3A_168 = arith.constant 0 : i32
    %dma_wait3A_169 = arith.constant 0 : i32
    %dma_wait3A_170 = tpu.memref_slice %arg6[%dma_wait3A_159, %dma_wait3A_168, %dma_wait3A_169] : memref<8x4x1024xf32, #tpu.memory_space<vmem>> -> memref<1x4x1024xf32, #tpu.memory_space<vmem>>
    %dma_wait3A_171 = tpu.memref_squeeze %dma_wait3A_170 : memref<1x4x1024xf32, #tpu.memory_space<vmem>> -> memref<4x1024xf32, #tpu.memory_space<vmem>>
    tpu.wait_dma2 semaphore(%arg18 : memref<!tpu.dma_semaphore, #tpu.memory_space<semaphore_mem>>) src(%dma_wait3A_171 : memref<4x1024xf32, #tpu.memory_space<vmem>>) dst(%dma_wait3A_167 : memref<4x1024xf32, #tpu.memory_space<hbm>>)
    %add3A_172 = arith.constant 492 : i32
    %add3A_173 = arith.addi %mul3A_2, %add3A_172 : i32
    %dma_wait3A_174 = arith.constant 3 : i32
    %dma_wait3A_175 = arith.constant 0 : i32
    %dma_wait3A_176 = arith.constant 0 : i32
    %dma_wait3A_177 = tpu.memref_slice %arg6[%dma_wait3A_174, %dma_wait3A_175, %dma_wait3A_176] : memref<8x4x1024xf32, #tpu.memory_space<vmem>> -> memref<1x4x1024xf32, #tpu.memory_space<vmem>>
    %dma_wait3A_178 = tpu.memref_squeeze %dma_wait3A_177 : memref<1x4x1024xf32, #tpu.memory_space<vmem>> -> memref<4x1024xf32, #tpu.memory_space<vmem>>
    %dma_wait3A_179 = arith.constant 0 : i32
    %dma_wait3A_180 = tpu.memref_slice %arg4[%add3A_173, %dma_wait3A_179] : memref<16384x1024xf32, #tpu.memory_space<hbm>> -> memref<4x1024xf32, #tpu.memory_space<hbm>>
    %dma_wait3A_181 = arith.constant 0 : i32
    %dma_wait3A_182 = tpu.memref_slice %arg4[%add3A_173, %dma_wait3A_181] : memref<16384x1024xf32, #tpu.memory_space<hbm>> -> memref<4x1024xf32, #tpu.memory_space<hbm>>
    %dma_wait3A_183 = arith.constant 0 : i32
    %dma_wait3A_184 = arith.constant 0 : i32
    %dma_wait3A_185 = tpu.memref_slice %arg6[%dma_wait3A_174, %dma_wait3A_183, %dma_wait3A_184] : memref<8x4x1024xf32, #tpu.memory_space<vmem>> -> memref<1x4x1024xf32, #tpu.memory_space<vmem>>
    %dma_wait3A_186 = tpu.memref_squeeze %dma_wait3A_185 : memref<1x4x1024xf32, #tpu.memory_space<vmem>> -> memref<4x1024xf32, #tpu.memory_space<vmem>>
    tpu.wait_dma2 semaphore(%arg19 : memref<!tpu.dma_semaphore, #tpu.memory_space<semaphore_mem>>) src(%dma_wait3A_186 : memref<4x1024xf32, #tpu.memory_space<vmem>>) dst(%dma_wait3A_182 : memref<4x1024xf32, #tpu.memory_space<hbm>>)
    %add3A_187 = arith.constant 496 : i32
    %add3A_188 = arith.addi %mul3A_2, %add3A_187 : i32
    %dma_wait3A_189 = arith.constant 4 : i32
    %dma_wait3A_190 = arith.constant 0 : i32
    %dma_wait3A_191 = arith.constant 0 : i32
    %dma_wait3A_192 = tpu.memref_slice %arg6[%dma_wait3A_189, %dma_wait3A_190, %dma_wait3A_191] : memref<8x4x1024xf32, #tpu.memory_space<vmem>> -> memref<1x4x1024xf32, #tpu.memory_space<vmem>>
    %dma_wait3A_193 = tpu.memref_squeeze %dma_wait3A_192 : memref<1x4x1024xf32, #tpu.memory_space<vmem>> -> memref<4x1024xf32, #tpu.memory_space<vmem>>
    %dma_wait3A_194 = arith.constant 0 : i32
    %dma_wait3A_195 = tpu.memref_slice %arg4[%add3A_188, %dma_wait3A_194] : memref<16384x1024xf32, #tpu.memory_space<hbm>> -> memref<4x1024xf32, #tpu.memory_space<hbm>>
    %dma_wait3A_196 = arith.constant 0 : i32
    %dma_wait3A_197 = tpu.memref_slice %arg4[%add3A_188, %dma_wait3A_196] : memref<16384x1024xf32, #tpu.memory_space<hbm>> -> memref<4x1024xf32, #tpu.memory_space<hbm>>
    %dma_wait3A_198 = arith.constant 0 : i32
    %dma_wait3A_199 = arith.constant 0 : i32
    %dma_wait3A_200 = tpu.memref_slice %arg6[%dma_wait3A_189, %dma_wait3A_198, %dma_wait3A_199] : memref<8x4x1024xf32, #tpu.memory_space<vmem>> -> memref<1x4x1024xf32, #tpu.memory_space<vmem>>
    %dma_wait3A_201 = tpu.memref_squeeze %dma_wait3A_200 : memref<1x4x1024xf32, #tpu.memory_space<vmem>> -> memref<4x1024xf32, #tpu.memory_space<vmem>>
    tpu.wait_dma2 semaphore(%arg20 : memref<!tpu.dma_semaphore, #tpu.memory_space<semaphore_mem>>) src(%dma_wait3A_201 : memref<4x1024xf32, #tpu.memory_space<vmem>>) dst(%dma_wait3A_197 : memref<4x1024xf32, #tpu.memory_space<hbm>>)
    %add3A_202 = arith.constant 500 : i32
    %add3A_203 = arith.addi %mul3A_2, %add3A_202 : i32
    %dma_wait3A_204 = arith.constant 5 : i32
    %dma_wait3A_205 = arith.constant 0 : i32
    %dma_wait3A_206 = arith.constant 0 : i32
    %dma_wait3A_207 = tpu.memref_slice %arg6[%dma_wait3A_204, %dma_wait3A_205, %dma_wait3A_206] : memref<8x4x1024xf32, #tpu.memory_space<vmem>> -> memref<1x4x1024xf32, #tpu.memory_space<vmem>>
    %dma_wait3A_208 = tpu.memref_squeeze %dma_wait3A_207 : memref<1x4x1024xf32, #tpu.memory_space<vmem>> -> memref<4x1024xf32, #tpu.memory_space<vmem>>
    %dma_wait3A_209 = arith.constant 0 : i32
    %dma_wait3A_210 = tpu.memref_slice %arg4[%add3A_203, %dma_wait3A_209] : memref<16384x1024xf32, #tpu.memory_space<hbm>> -> memref<4x1024xf32, #tpu.memory_space<hbm>>
    %dma_wait3A_211 = arith.constant 0 : i32
    %dma_wait3A_212 = tpu.memref_slice %arg4[%add3A_203, %dma_wait3A_211] : memref<16384x1024xf32, #tpu.memory_space<hbm>> -> memref<4x1024xf32, #tpu.memory_space<hbm>>
    %dma_wait3A_213 = arith.constant 0 : i32
    %dma_wait3A_214 = arith.constant 0 : i32
    %dma_wait3A_215 = tpu.memref_slice %arg6[%dma_wait3A_204, %dma_wait3A_213, %dma_wait3A_214] : memref<8x4x1024xf32, #tpu.memory_space<vmem>> -> memref<1x4x1024xf32, #tpu.memory_space<vmem>>
    %dma_wait3A_216 = tpu.memref_squeeze %dma_wait3A_215 : memref<1x4x1024xf32, #tpu.memory_space<vmem>> -> memref<4x1024xf32, #tpu.memory_space<vmem>>
    tpu.wait_dma2 semaphore(%arg21 : memref<!tpu.dma_semaphore, #tpu.memory_space<semaphore_mem>>) src(%dma_wait3A_216 : memref<4x1024xf32, #tpu.memory_space<vmem>>) dst(%dma_wait3A_212 : memref<4x1024xf32, #tpu.memory_space<hbm>>)
    %add3A_217 = arith.constant 504 : i32
    %add3A_218 = arith.addi %mul3A_2, %add3A_217 : i32
    %dma_wait3A_219 = arith.constant 6 : i32
    %dma_wait3A_220 = arith.constant 0 : i32
    %dma_wait3A_221 = arith.constant 0 : i32
    %dma_wait3A_222 = tpu.memref_slice %arg6[%dma_wait3A_219, %dma_wait3A_220, %dma_wait3A_221] : memref<8x4x1024xf32, #tpu.memory_space<vmem>> -> memref<1x4x1024xf32, #tpu.memory_space<vmem>>
    %dma_wait3A_223 = tpu.memref_squeeze %dma_wait3A_222 : memref<1x4x1024xf32, #tpu.memory_space<vmem>> -> memref<4x1024xf32, #tpu.memory_space<vmem>>
    %dma_wait3A_224 = arith.constant 0 : i32
    %dma_wait3A_225 = tpu.memref_slice %arg4[%add3A_218, %dma_wait3A_224] : memref<16384x1024xf32, #tpu.memory_space<hbm>> -> memref<4x1024xf32, #tpu.memory_space<hbm>>
    %dma_wait3A_226 = arith.constant 0 : i32
    %dma_wait3A_227 = tpu.memref_slice %arg4[%add3A_218, %dma_wait3A_226] : memref<16384x1024xf32, #tpu.memory_space<hbm>> -> memref<4x1024xf32, #tpu.memory_space<hbm>>
    %dma_wait3A_228 = arith.constant 0 : i32
    %dma_wait3A_229 = arith.constant 0 : i32
    %dma_wait3A_230 = tpu.memref_slice %arg6[%dma_wait3A_219, %dma_wait3A_228, %dma_wait3A_229] : memref<8x4x1024xf32, #tpu.memory_space<vmem>> -> memref<1x4x1024xf32, #tpu.memory_space<vmem>>
    %dma_wait3A_231 = tpu.memref_squeeze %dma_wait3A_230 : memref<1x4x1024xf32, #tpu.memory_space<vmem>> -> memref<4x1024xf32, #tpu.memory_space<vmem>>
    tpu.wait_dma2 semaphore(%arg22 : memref<!tpu.dma_semaphore, #tpu.memory_space<semaphore_mem>>) src(%dma_wait3A_231 : memref<4x1024xf32, #tpu.memory_space<vmem>>) dst(%dma_wait3A_227 : memref<4x1024xf32, #tpu.memory_space<hbm>>)
    %add3A_232 = arith.constant 508 : i32
    %add3A_233 = arith.addi %mul3A_2, %add3A_232 : i32
    %dma_wait3A_234 = arith.constant 7 : i32
    %dma_wait3A_235 = arith.constant 0 : i32
    %dma_wait3A_236 = arith.constant 0 : i32
    %dma_wait3A_237 = tpu.memref_slice %arg6[%dma_wait3A_234, %dma_wait3A_235, %dma_wait3A_236] : memref<8x4x1024xf32, #tpu.memory_space<vmem>> -> memref<1x4x1024xf32, #tpu.memory_space<vmem>>
    %dma_wait3A_238 = tpu.memref_squeeze %dma_wait3A_237 : memref<1x4x1024xf32, #tpu.memory_space<vmem>> -> memref<4x1024xf32, #tpu.memory_space<vmem>>
    %dma_wait3A_239 = arith.constant 0 : i32
    %dma_wait3A_240 = tpu.memref_slice %arg4[%add3A_233, %dma_wait3A_239] : memref<16384x1024xf32, #tpu.memory_space<hbm>> -> memref<4x1024xf32, #tpu.memory_space<hbm>>
    %dma_wait3A_241 = arith.constant 0 : i32
    %dma_wait3A_242 = tpu.memref_slice %arg4[%add3A_233, %dma_wait3A_241] : memref<16384x1024xf32, #tpu.memory_space<hbm>> -> memref<4x1024xf32, #tpu.memory_space<hbm>>
    %dma_wait3A_243 = arith.constant 0 : i32
    %dma_wait3A_244 = arith.constant 0 : i32
    %dma_wait3A_245 = tpu.memref_slice %arg6[%dma_wait3A_234, %dma_wait3A_243, %dma_wait3A_244] : memref<8x4x1024xf32, #tpu.memory_space<vmem>> -> memref<1x4x1024xf32, #tpu.memory_space<vmem>>
    %dma_wait3A_246 = tpu.memref_squeeze %dma_wait3A_245 : memref<1x4x1024xf32, #tpu.memory_space<vmem>> -> memref<4x1024xf32, #tpu.memory_space<vmem>>
    tpu.wait_dma2 semaphore(%arg23 : memref<!tpu.dma_semaphore, #tpu.memory_space<semaphore_mem>>) src(%dma_wait3A_246 : memref<4x1024xf32, #tpu.memory_space<vmem>>) dst(%dma_wait3A_242 : memref<4x1024xf32, #tpu.memory_space<hbm>>)
    return
  }
}

</mosaic_0001>

<sc_bundles>
// kernel: kernel.3.cloned.1.call-start
scs
__scs_entry_jumppad:
0x0: {  	(pc) =	sbr.rel $0x88, $3  }
0x1: {  	(tag) =	ssettag $0x0;
	lr =	simm.s32 $0x1  }
0x2: {  	[smem:$0x3F9F] =	sst lr;
	_ =	strace $0xD0000000  }
0x3: {  	_ = 	snop  }
0x4: {  	_ = 	snop  }
0x5: {  	_ = 	snop  }
0x6: {  	_ = 	snop  }
0x7: {  	_ = 	snop  }
__scs_overlays_trampoline_lowered:
0x8: {  	[smem:$0x3FAE] =	sst s0  }
0x9: {  	[smem:$0x3FAF] =	sst s1  }
0xa: {  	[smem:$0x3FB0] =	sst s2  }
0xb: {  	[smem:$0x3FB1] =	sst s3  }
0xc: {  	[smem:$0x3FB2] =	sst s4  }
0xd: {  	[smem:$0x3FB3] =	sst s5  }
0xe: {  	[smem:$0x3FB4] =	sst s6  }
0xf: {  	[smem:$0x3FB5] =	sst s7  }
0x10: {  	[smem:$0x3FB6] =	sst s8  }
0x11: {  	[smem:$0x3FB7] =	sst s9;
	s0 =	simm.s32 @!p0 $0x0  }
0x12: {  	s1 =	sld [smem:$0x3F9D];
	s0 =	simm.s32 @p0 $0x1  }
0x13: {  	[smem:$0x3FB8] =	sst s0;
	s0 =	simm.s32 @!p1 $0x0  }
0x14: {  	s2 =	sld [smem:$0x3F9C];
	s0 =	simm.s32 @p1 $0x1  }
0x15: {  	[smem:$0x3FB9] =	sst s0;
	s0 =	simm.s32 @!p2 $0x0  }
0x16: {  	s3 =	sld [smem:$0x3FDB];
	s0 =	simm.s32 @p2 $0x1  }
0x17: {  	s4 =	simm.s32 $0x1BF5;
	[smem:$0x3FBB] =	sst s0  }
0x18: {  	s0 =	sld [smem:$0x3F9E];
	_ =	swait.ge [sflag:s4], $0x0  }
0x19: {  	s7 =	sld [smem:$0x3F9F]  }
0x1a: {  	s8 =	sadd.s32 $0xFFFFE003, lr  }
0x1b: {  	s9 =	sadd.s32 $0xFFFFFEF7, lr;
	s5 =	simm.s32 $0xFFFFFFFF;
	p2 =	slt.u32 s8, $0xFFFFF086  }
0x1c: {  	p1 =	slt.u32 s9, $0xF7A;
	s5 =	simm.s32 @!p2 $0x0  }
0x1d: {  	s5 =	simm.s32 @p1 $0x1;
	p0 =	seq.s32 s7, s2  }
0x1e: {  	s7 =	smul.u32 @!p0 $0xF7A, s2;
	p2 =	seq.s32 @!p0 s5, $0x0  }
0x1f: {  	s9 =	smul.u32 $0xF7A, s1;
	s8 =	simm.s32 @!p0 $0x1BF5;
	p2 =	por !p2, p0  }
0x20: {  	[sflag:s8] =	ssyncset.s32 @!p0 $0xFFFFF086;
	s6 =	sadd.s32 @!p0 s3, s7;
	s7 =	simm.s32 @!p0 $0x108  }
0x21: {  	s3 =	sadd.s32 s3, s9;
	s6 =	sadd.s32 @!p0 $0x88, s6;
	s7 =	simm.s32 @p2 $0x1082  }
0x22: {  	[simem:s7], [sflag:s8] =	dma.local @!p0 [hbm:s6], $0xF7A  }
0x23: {  	s9 =	sor.u32 $0xD0000000, s2;
	s6 =	simm.s32 $0x108;
	_ =	swait.ge @!p0 [sflag:s8], $0x0  }
0x24: {  	s3 =	sadd.s32 $0x88, s3;
	s6 =	simm.s32 @!p1 $0x1082;
	[sflag:s4] =	ssyncset.s32 $0xFFFFF086  }
0x25: {  	[simem:s6], [sflag:s4] =	dma.local [hbm:s3], $0xF7A  }
0x26: {  	[smem:$0x3F9F] =	sst s1;
	(tag) =	ssettag s2;
	_ =	strace s9  }
0x27: {  	s1 =	sld [smem:$0x3FAF]  }
0x28: {  	s2 =	sld [smem:$0x3FB0]  }
0x29: {  	s4 =	sld [smem:$0x3FB2]  }
0x2a: {  	p0 =	seq.s32 s5, $0x0;
	s5 =	sld [smem:$0x3FB3]  }
0x2b: {  	s6 =	sld [smem:$0x3FB4]  }
0x2c: {  	s7 =	sld [smem:$0x3FB5]  }
0x2d: {  	s3 =	simm.s32 $0x108;
	s8 =	sld [smem:$0x3FB6]  }
0x2e: {  	s3 =	simm.s32 @!p0 $0x1082;
	s9 =	sld [smem:$0x3FB7]  }
0x2f: {  	lr =	sadd.s32 s0, s3;
	s0 =	sld [smem:$0x3FAE]  }
0x30: {  	s3 =	sld [smem:$0x3FB1]  }
0x31: {  	[smem:$0x3FBA] =	sst s10  }
0x32: {  	s10 =	sld [smem:$0x3FB8];
	_ =	sdelay $0x3  }
0x33: {  	p0 =	seq.s32 s10, $0x1;
	s10 =	sld [smem:$0x3FBA];
	_ =	sdelay $0x3  }
0x34: {  	[smem:$0x3FBA] =	sst s10  }
0x35: {  	s10 =	sld [smem:$0x3FB9];
	_ =	sdelay $0x3  }
0x36: {  	p1 =	seq.s32 s10, $0x1;
	s10 =	sld [smem:$0x3FBA];
	_ =	sdelay $0x3  }
0x37: {  	[smem:$0x3FBA] =	sst s10  }
0x38: {  	s10 =	sld [smem:$0x3FBB]  }
0x39: {  	_ = 	snop;
	(pc) =	sbr.ind lr, $3  }
0x3a: {  	_ = 	snop  }
0x3b: {  	_ = 	snop  }
0x3c: {  	p2 =	seq.s32 s10, $0x1;
	s10 =	sld [smem:$0x3FBA]  }
0x3d: {  	_ =	shalt  }
0x3e: {  	_ =	shalt  }
0x3f: {  	_ =	shalt  }
0x40: {  	_ =	shalt  }
0x41: {  	_ =	shalt  }
0x42: {  	_ =	shalt  }
0x43: {  	_ =	shalt  }
0x44: {  	_ =	shalt  }
0x45: {  	_ =	shalt  }
0x46: {  	_ =	shalt  }
0x47: {  	_ =	shalt  }
0x48: {  	_ =	shalt  }
0x49: {  	_ =	shalt  }
0x4a: {  	_ =	shalt  }
0x4b: {  	_ =	shalt  }
0x4c: {  	_ =	shalt  }
0x4d: {  	_ =	shalt  }
0x4e: {  	_ =	shalt  }
0x4f: {  	_ =	shalt  }
0x50: {  	_ =	shalt  }
0x51: {  	_ =	shalt  }
0x52: {  	_ =	shalt  }
0x53: {  	_ =	shalt  }
0x54: {  	_ =	shalt  }
0x55: {  	_ =	shalt  }
0x56: {  	_ =	shalt  }
0x57: {  	_ =	shalt  }
0x58: {  	_ =	shalt  }
0x59: {  	_ =	shalt  }
0x5a: {  	_ =	shalt  }
0x5b: {  	_ =	shalt  }
0x5c: {  	_ =	shalt  }
0x5d: {  	_ =	shalt  }
0x5e: {  	_ =	shalt  }
0x5f: {  	_ =	shalt  }
0x60: {  	_ =	shalt  }
0x61: {  	_ =	shalt  }
0x62: {  	_ =	shalt  }
0x63: {  	_ =	shalt  }
0x64: {  	_ =	shalt  }
0x65: {  	_ =	shalt  }
0x66: {  	_ =	shalt  }
0x67: {  	_ =	shalt  }
0x68: {  	_ =	shalt  }
0x69: {  	_ =	shalt  }
0x6a: {  	_ =	shalt  }
0x6b: {  	_ =	shalt  }
0x6c: {  	_ =	shalt  }
0x6d: {  	_ =	shalt  }
0x6e: {  	_ =	shalt  }
0x6f: {  	_ =	shalt  }
0x70: {  	_ =	shalt  }
0x71: {  	_ =	shalt  }
0x72: {  	_ =	shalt  }
0x73: {  	_ =	shalt  }
0x74: {  	_ =	shalt  }
0x75: {  	_ =	shalt  }
0x76: {  	_ =	shalt  }
0x77: {  	_ =	shalt  }
0x78: {  	_ =	shalt  }
0x79: {  	_ =	shalt  }
0x7a: {  	_ =	shalt  }
0x7b: {  	_ =	shalt  }
0x7c: {  	_ =	shalt  }
0x7d: {  	_ =	shalt  }
0x7e: {  	_ =	shalt  }
0x7f: {  	_ =	shalt  }
0x80: {  	_ =	shalt  }
0x81: {  	_ =	shalt  }
0x82: {  	_ =	shalt  }
0x83: {  	_ =	shalt  }
0x84: {  	_ =	shalt  }
0x85: {  	_ =	shalt  }
0x86: {  	_ =	shalt  }
0x87: {  	_ =	shalt  }
.Lfunc_end0:
.L_simem_size_0:
called_computation_lowered:
.L_overlay_start_0:
0x88: {  	s2 =	sld [smem:$0x3FD9]  }
0x89: {  	s3 =	sld [smem:$0x3FFE];
	_ =	sdelay $0x1  }
0x8a: {  	s1 =	srdreg.scid  }
0x8b: {  	s0 =	sand.u32 $0x1, s1  }
0x8c: {  	s17 =	sshll.u32 s0, $0xA;
	s2 =	sadd.s32 s3, s2  }
0x8d: {  	s2 =	sadd.s32 s2, s17  }
0x8e: {  	[smem:$0x3FC6] =	sst s2  }
0x8f: {  	_ = 	snop  }
0x90: {  	s2 =	sld [smem:$0x3FC9]  }
0x91: {  	s18 =	sld [smem:$0x3FD0];
	(tm) =	ssettm $0x1  }
0x92: {  	s4 =	sld [smem:$0x3FFB];
	_ =	sdelay $0x3  }
0x93: {  	_ =	strace s4  }
0x94: {  	s4 =	sld [smem:$0x3FFC];
	_ =	sdelay $0x3  }
0x95: {  	_ =	strace s4  }
0x96: {  	s4 =	sld [smem:$0x3FFD];
	_ =	sdelay $0x3  }
0x97: {  	_ =	strace s4  }
0x98: {  	_ =	strace $0x8FFFFFFF  }
0x99: {  	s19 =	sld [smem:$0x3FDB];
	_ =	sdelay $0x1  }
0x9a: {  	s5 =	simm.s32 $_scs_section_size  }
0x9b: {  	s6 =	simm.s32 $_size__tile_overlayer_lowered;
	s7 =	simm.s32 $_tile_overlayer_lowered  }
0x9c: {  	s22 =	simm.s32 $0x1BFF;
	s21 =	sshll.u32 s7, $0x1;
	s4 =	sadd.s32 s5, s19  }
0x9d: {  	s8 =	simm.s32 $0x0;
	s20 =	sshll.u32 s6, $0x1;
	s6 =	sadd.s32 s21, s4  }
0x9e: {  	[timem:s8], [sflag:s22] =	dma.local [hbm:s6], s20  }
0x9f: {  	_ =	swait.ge [sflag:s22], s20  }
0xa0: {  	s5 =	ssub.s32 $0x0, s20;
	[sflag:s22] =	ssyncset.done $0x0  }
0xa1: {  	[sflag:s22] =	ssyncadd.s32 s5;
	_ =	sdelay $0x1  }
0xa2: {  	s23 =	simm.s32 $0x1B8B  }
0xa3: {  	_ =	swait.ge [sflag:s23], $0x1  }
0xa4: {  	[sflag:s23] =	ssyncset.done $0x0  }
0xa5: {  	s25 =	simm.s32 $0x1B8E;
	s24 =	sld [smem:$0x3FFE];
	[sflag:s23] =	ssyncadd.s32 $0xFFFFFFFF  }
0xa6: {  	s26 =	simm.s32 $execute0_lowered;
	[smem:$0x3FD2] =	sst s25  }
0xa7: {  	s6 =	sshll.u32 s26, $0x1;
	_ =	strace $0x80000046;
	[dreg:$0x1] =	wrdreg $0xFFFFFFFF  }
0xa8: {  	s28 =	simm.s32 $_size_execute0_lowered;
	s4 =	sadd.s32 s4, s6;
	[dreg:$0x0] =	wrdreg $0x0  }
0xa9: {  	s6 =	sshll.u32 s28, $0x1;
	[dreg:$0x2] =	wrdreg s4  }
0xaa: {  	[dreg:$0x3] =	wrdreg s6  }
0xab: {  	[dreg:$0x4] =	wrdreg $0xC0  }
0xac: {  	_ =	task [dreg:s8], $0x5FFFF  }
0xad: {  	[dreg:$0x1] =	wrdreg $0xFFFFFFFF  }
0xae: {  	[dreg:$0x0] =	wrdreg $0x60  }
0xaf: {  	[dreg:$0x2] =	wrdreg s2  }
0xb0: {  	[dreg:$0x3] =	wrdreg s24  }
0xb1: {  	[dreg:$0x4] =	wrdreg s18  }
0xb2: {  	[dreg:$0x5] =	wrdreg $0x9  }
0xb3: {  	_ =	task.clear_ibuf [dreg:s8], $0x6FFFF;
	_ =	strace $0x90000046  }
0xb4: {  	s29 =	simm.s32 $0x9;
	_ =	strace $0x80000048  }
0xb5: {  	_ =	swait.ge [sflag:s29], $0x1  }
0xb6: {  	[sflag:s29] =	ssyncadd.s32 $0xFFFFFFFF  }
0xb7: {  	_ =	strace $0x90000048  }
0xb8: {  	_ =	sfence  }
0xb9: {  	s30 =	sld [smem:$0x0];
	_ =	sdelay $0x2  }
0xba: {  	s31 =	sshll.u32 s1, $0xD;
	s1 =	sshrl.u32 s1, $0x2  }
0xbb: {  	s3 =	sand.u32 $0x4000, s31;
	s1 =	sadd.s32 s1, s30  }
0xbc: {  	s0 =	sor.u32 s3, s0;
	s1 =	sshll.u32 s1, $0x11  }
0xbd: {  	s0 =	sor.u32 s1, s0  }
0xbe: {  	s0 =	sadd.s32 $0x8F2B, s0  }
0xbf: {  	[sflag:s0] =	ssyncadd.remote.s32 $0x1  }
0xc0: {  	_ =	sfence.sel $0xFFFF  }
0xc1: {  	[dreg:$0x0] =	wrdreg $0xFFFFFFFF;
	(pc) =	sbr.abs _section_cstart, $3  }
0xc2: {  	[dreg:$0x1] =	wrdreg $0xFFFFFFFF  }
0xc3: {  	_ =	task.clear_ibuf [dreg:s8], $0x2FFFF;
	_ =	strace $0x9FFFFFFF  }
0xc4: {  	(tm) =	ssettm $0x7FFFFFFF  }
0xc5: {  	_ =	shalt  }
tec
execute0_lowered:
.L_overlay_start_1:
0x0: {  	(tag) =	ssettag $0x1  }
0x1: {  	s1 =	rddreg [dreg:$0x0]  }
0x2: {  	s0 =	srdreg.scid;
	s2 =	rddreg [dreg:$0x1]  }
0x3: {  	s4 =	stileid.u32;
	s3 =	rddreg [dreg:$0x2];
	s6 =	simm.s32 $0x0  }
0x4: {  	s28 =	simm.s32 $0x2;
	s30 =	simm.s32 $0x3;
	s9 =	simm.s32 $0x6  }
0x5: {  	s11 =	simm.s32 $0x7;
	s12 =	simm.s32 $0xE000;
	s13 =	simm.s32 $0x8  }
0x6: {  	s14 =	simm.s32 $0xF000;
	s8 =	simm.s32 $0x0;
	s0 =	sand.u32 $0x1, s0  }
0x7: {  	s4 =	sshll.u32 s4, $0xA;
	[smem:$0x7FF] =	sst s6;
	s5 =	sshll.u32 s0, $0x9  }
0x8: {  	s6 =	sadd.s32 $0x40, s1;
	s0 =	ssub.s32 $0x2, s0;
	s5 =	sor.u32 s5, s4  }
0x9: {  	_ =	strace $0x80000047;
	s4 =	sshrl.u32 s5, $0x3;
	s22 =	sshll.u32 s5, $0x7  }
0xa: {  	s21 =	sshrl.u32 s0, $0x1;
	s2 =	sadd.s32 s4, s2;
	s4 =	sadd.s32 s22, s6  }
0xb: {  	s0 =	ssub.s32 s0, s21;
	s23 =	sadd.s32 s1, s22;
	[dreg:$0x6] =	wrdreg s4  }
0xc: {  	s17 =	sadd.s32 $0x40, s3;
	s0 =	smax.u32 s0, $0x1;
	[dreg:$0x5] =	wrdreg s23  }
0xd: {  	s16 =	sor.u32 $0x20, s5;
	s2 =	sadd.s32 $0x400, s2;
	[dreg:$0xd] =	wrdreg s0  }
0xe: {  	s18 =	sor.u32 $0x28, s5;
	s24 =	sadd.s32 $0x400, s23;
	[dreg:$0x4] =	wrdreg s2  }
0xf: {  	s19 =	sor.u32 $0x30, s5;
	s25 =	sadd.s32 $0x440, s23;
	[dreg:$0x7] =	wrdreg s24  }
0x10: {  	s20 =	sor.u32 $0x38, s5;
	s26 =	sadd.s32 $0x800, s23;
	[dreg:$0x8] =	wrdreg s25  }
0x11: {  	s22 =	simm.s32 $0x1;
	s29 =	sadd.s32 $0x840, s23;
	[dreg:$0x9] =	wrdreg s26  }
0x12: {  	s31 =	sadd.s32 $0xC00, s23;
	s4 =	simm.s32 $0x5;
	[dreg:$0xa] =	wrdreg s29  }
0x13: {  	[dreg:$0xb] =	wrdreg s31;
	s2 =	sadd.s32 $0xC40, s23;
	s24 =	simm.s32 $0x200  }
0x14: {  	s25 =	simm.s32 $0x400;
	[dreg:$0xc] =	wrdreg s2;
	s2 =	simm.s32 $0x4  }
.LBB2_1:
0x15: {  	[dreg:$0xe] =	wrdreg s8;
	s0 =	simm.s32 $0x0  }
0x16: {  	s7 =	rddreg [dreg:$0x4];
	s31 =	simm.s32 $0x10000;
	s8 =	simm.s32 $0x11  }
0x17: {  	[tilespmem:s31], [sflag:$0x11] =	stream.linear.gather [hbm4b:s7+s0], $0x200, $0x38;
	[tilespmem:$0x10280] =	vst v63  }
0x18: {  	_ =	swait.ge [sflag:s8], $0x200  }
0x19: {  	[sflag:s8] =	ssyncset.done $0x0  }
0x1a: {  	s10 =	rddreg [dreg:$0x5];
	[sflag:s8] =	ssyncadd.s32 $0xFFFFFE00  }
0x1b: {  	[tilespmem:s0], [sflag:$0x1] =	stream.strided.gather [hbm4b:s10+s24], $0x1000, s25, s24, $0x38;
	[tilespmem:$0x10280] =	vst v63  }
0x1c: {  	s21 =	simm.s32 $0x1000;
	s15 =	rddreg [dreg:$0x6]  }
0x1d: {  	[tilespmem:s21], [sflag:$0x2] =	stream.strided.gather [hbm4b:s15+s24], $0x1000, s25, s24, $0x38;
	[tilespmem:$0x10280] =	vst v63  }
0x1e: {  	s26 =	simm.s32 $0x2000;
	s23 =	rddreg [dreg:$0x7]  }
0x1f: {  	[tilespmem:s26], [sflag:$0x3] =	stream.strided.gather [hbm4b:s23+s24], $0x1000, s25, s24, $0x38;
	[tilespmem:$0x10280] =	vst v63  }
0x20: {  	s31 =	simm.s32 $0x3000;
	s29 =	rddreg [dreg:$0x8]  }
0x21: {  	[tilespmem:s31], [sflag:$0x4] =	stream.strided.gather [hbm4b:s29+s24], $0x1000, s25, s24, $0x38;
	[tilespmem:$0x10280] =	vst v63  }
0x22: {  	s8 =	rddreg [dreg:$0x9];
	s10 =	simm.s32 $0x4000  }
0x23: {  	[tilespmem:s10], [sflag:$0x5] =	stream.strided.gather [hbm4b:s8+s24], $0x1000, s25, s24, $0x38;
	[tilespmem:$0x10280] =	vst v63  }
0x24: {  	s15 =	rddreg [dreg:$0xa];
	s21 =	simm.s32 $0x5000  }
0x25: {  	[tilespmem:s21], [sflag:$0x6] =	stream.strided.gather [hbm4b:s15+s24], $0x1000, s25, s24, $0x38;
	[tilespmem:$0x10280] =	vst v63  }
0x26: {  	s23 =	rddreg [dreg:$0xb];
	s26 =	simm.s32 $0x6000  }
0x27: {  	[tilespmem:s26], [sflag:$0x7] =	stream.strided.gather [hbm4b:s23+s24], $0x1000, s25, s24, $0x38;
	[tilespmem:$0x10280] =	vst v63  }
0x28: {  	s29 =	rddreg [dreg:$0xc];
	s31 =	simm.s32 $0x7000;
	s21 =	simm.s32 $0x0  }
0x29: {  	[tilespmem:s31], [sflag:$0x8] =	stream.strided.gather [hbm4b:s29+s24], $0x1000, s25, s24, $0x38;
	[tilespmem:$0x10280] =	vst v63  }
.LBB2_2:
0x2a: {  	_ =	swait.ge [sflag:s22], $0x1000  }
0x2b: {  	p0 =	seq.s32 s21, $0x0;
	[sflag:s22] =	ssyncset.done $0x0  }
0x2c: {  	s0 =	simm.s32 @!p0 $0x9;
	[sflag:s22] =	ssyncadd.s32 $0xFFFFF000  }
0x2d: {  	_ =	swait.ge @!p0 [sflag:s0], $0x1000  }
0x2e: {  	[sflag:s0] =	ssyncset.done @!p0 $0x0  }
0x2f: {  	s8 =	sshll.u32 s21, $0x5;
	[sflag:s0] =	ssyncadd.s32 @!p0 $0xFFFFF000  }
0x30: {  	v0 =	vld [tilespmem:s8+$0x10000];
	_ =	sdelay $0x3  }
0x31: {  	s15 =	simm.s32 $0x0  }
0x32: {  	s26 =	simm.s32 $0x8040;
	s29 =	simm.s32 $0x40;
	s23 =	sor.u32 s5, s8;
	v0 =	vadd.f32 $1.000000000e+00, v0  }
.LBB2_3:
0x33: {  	v4 =	vld [tilespmem:s29+$0x30]  }
0x34: {  	v6 =	vld [tilespmem:s29+$0xFFFFFFD0]  }
0x35: {  	v1 =	vmov s15;
	v8 =	vld [tilespmem:s29+$0xFFFFFFE0]  }
0x36: {  	v5 =	vld [tilespmem:s29+$0xFFFFFFF0];
	v1 =	vperm.xlane v0, v1  }
0x37: {  	v3 =	vld [tilespmem:s29+$0x0]  }
0x38: {  	v2 =	vld [tilespmem:s29+$0x10];
	v9 =	vmul.f32 v4, v1  }
0x39: {  	v4 =	vld [tilespmem:s29+$0x20];
	v7 =	vmul.f32 v6, v1  }
0x3a: {  	s0 =	simm.s32 $0x0;
	s7 =	sadd.s32 $0x200, s29;
	s31 =	smov.u32 s26;
	v6 =	vld [tilespmem:s29+$0xFFFFFFC0];
	v8 =	vmul.f32 v8, v1;
	[tilespmem:s26+$0x30] =	vst v9  }
.LBB2_4:
0x3b: {  	v9 =	vld [tilespmem:s7+$0x30];
	s0 =	sadd.s32 $0x80, s0;
	[tilespmem:s31+$0xFFFFFFD0] =	vst v7;
	v5 =	vmul.f32 v5, v1  }
0x3c: {  	v7 =	vld [tilespmem:s7+$0xFFFFFFD0];
	p1 =	slt.u32 s0, $0x380;
	[tilespmem:s31+$0xFFFFFFE0] =	vst v8;
	v3 =	vmul.f32 v3, v1  }
0x3d: {  	v8 =	vld [tilespmem:s7+$0xFFFFFFE0];
	[tilespmem:s31+$0xFFFFFFF0] =	vst v5;
	v2 =	vmul.f32 v2, v1  }
.Ltmp0:
0x3e: {  	v5 =	vld [tilespmem:s7+$0xFFFFFFF0];
	[tilespmem:s31+$0x0] =	vst v3;
	v4 =	vmul.f32 v4, v1;
	(pc) =	sbr.rel @p1 .LBB2_4-.Ltmp0, $4  }
0x3f: {  	v3 =	vld [tilespmem:s7+$0x0];
	v6 =	vmul.f32 v6, v1;
	[tilespmem:s31+$0x10] =	vst v2  }
0x40: {  	v2 =	vld [tilespmem:s7+$0x10];
	v9 =	vmul.f32 v9, v1;
	[tilespmem:s31+$0x20] =	vst v4  }
0x41: {  	v7 =	vmul.f32 v7, v1;
	v4 =	vld [tilespmem:s7+$0x20];
	[tilespmem:s31+$0xFFFFFFC0] =	vst v6;
	s31 =	sadd.s32 $0x200, s31  }
0x42: {  	v6 =	vld [tilespmem:s7+$0xFFFFFFC0];
	v8 =	vmul.f32 v8, v1;
	[tilespmem:s31+$0x30] =	vst v9;
	s7 =	sadd.s32 $0x200, s7  }
0x43: {  	[tilespmem:s31+$0xFFFFFFD0] =	vst v7;
	v5 =	vmul.f32 v5, v1;
	s15 =	sadd.s32 $0x1, s15  }
0x44: {  	[tilespmem:s31+$0xFFFFFFE0] =	vst v8;
	v3 =	vmul.f32 v3, v1;
	p1 =	sne.s32 s15, $0x4  }
.Ltmp1:
0x45: {  	[tilespmem:s31+$0xFFFFFFF0] =	vst v5;
	v2 =	vmul.f32 v2, v1;
	(pc) =	sbr.rel @p1 .LBB2_3-.Ltmp1, $4  }
0x46: {  	[tilespmem:s31+$0x0] =	vst v3;
	v3 =	vmul.f32 v4, v1  }
0x47: {  	v1 =	vmul.f32 v6, v1;
	[tilespmem:s31+$0x10] =	vst v2  }
0x48: {  	[tilespmem:s31+$0x20] =	vst v3  }
0x49: {  	s26 =	sadd.s32 $0x80, s26;
	s29 =	sadd.s32 $0x80, s29;
	[tilespmem:s31+$0xFFFFFFC0] =	vst v1  }
0x4a: {  	p1 =	seq.s32 s21, $0xF  }
0x4b: {  	s0 =	sadd.s32 @!p1 s8, s16  }
0x4c: {  	s23 =	sshll.u32 s23, $0x7;
	s7 =	simm.s32 @!p1 $0x200;
	s15 =	sshll.u32 @!p1 s0, $0x7  }
0x4d: {  	s10 =	simm.s32 @!p1 $0x400;
	s26 =	simm.s32 @!p1 $0x0;
	s0 =	sadd.s32 @!p1 s1, s15  }
0x4e: {  	[tilespmem:s26], [sflag:$0x1] =	stream.strided.gather @!p1 [hbm4b:s0+s7], $0x1000, s10, s7, $0x38;
	[tilespmem:$0x10280] =	vst v63  }
0x4f: {  	s29 =	simm.s32 $0x8000;
	s26 =	sadd.s32 s3, s23  }
0x50: {  	[hbm4b:s26+s24] =	stream.strided.scatter [tilespmem:s29], [sflag:$0x9], $0x1000, s25, s24, $0x38;
	[tilespmem:$0x10280] =	vst v63  }
0x51: {  	_ =	swait.ge [sflag:s28], $0x1000  }
0x52: {  	[sflag:s28] =	ssyncset.done $0x0  }
0x53: {  	s0 =	simm.s32 @!p0 $0xA;
	[sflag:s28] =	ssyncadd.s32 $0xFFFFF000  }
0x54: {  	_ =	swait.ge @!p0 [sflag:s0], $0x1000  }
0x55: {  	[sflag:s0] =	ssyncset.done @!p0 $0x0  }
0x56: {  	[sflag:s0] =	ssyncadd.s32 @!p0 $0xFFFFF000  }
0x57: {  	v0 =	vld [tilespmem:s8+$0x10004];
	_ =	sdelay $0x4  }
0x58: {  	s31 =	simm.s32 $0x1070;
	s26 =	simm.s32 $0x0;
	s0 =	simm.s32 $0x9070;
	v0 =	vadd.f32 $1.000000000e+00, v0  }
.LBB2_7:
0x59: {  	v4 =	vld [tilespmem:s31+$0x0]  }
0x5a: {  	v6 =	vld [tilespmem:s31+$0xFFFFFFA0]  }
0x5b: {  	v1 =	vmov s26;
	v8 =	vld [tilespmem:s31+$0xFFFFFFB0]  }
0x5c: {  	v5 =	vld [tilespmem:s31+$0xFFFFFFC0];
	v1 =	vperm.xlane v0, v1  }
0x5d: {  	v3 =	vld [tilespmem:s31+$0xFFFFFFD0]  }
0x5e: {  	v2 =	vld [tilespmem:s31+$0xFFFFFFE0];
	v9 =	vmul.f32 v4, v1  }
0x5f: {  	v4 =	vld [tilespmem:s31+$0xFFFFFFF0];
	v7 =	vmul.f32 v6, v1  }
0x60: {  	s7 =	simm.s32 $0x0;
	s10 =	sadd.s32 $0x200, s31;
	s29 =	smov.u32 s0;
	v6 =	vld [tilespmem:s31+$0xFFFFFF90];
	v8 =	vmul.f32 v8, v1;
	[tilespmem:s0+$0x0] =	vst v9  }
.LBB2_8:
0x61: {  	v9 =	vld [tilespmem:s10+$0x0];
	s7 =	sadd.s32 $0x80, s7;
	[tilespmem:s29+$0xFFFFFFA0] =	vst v7;
	v5 =	vmul.f32 v5, v1  }
0x62: {  	v7 =	vld [tilespmem:s10+$0xFFFFFFA0];
	p2 =	slt.u32 s7, $0x380;
	[tilespmem:s29+$0xFFFFFFB0] =	vst v8;
	v3 =	vmul.f32 v3, v1  }
0x63: {  	v8 =	vld [tilespmem:s10+$0xFFFFFFB0];
	[tilespmem:s29+$0xFFFFFFC0] =	vst v5;
	v2 =	vmul.f32 v2, v1  }
.Ltmp2:
0x64: {  	v5 =	vld [tilespmem:s10+$0xFFFFFFC0];
	[tilespmem:s29+$0xFFFFFFD0] =	vst v3;
	v4 =	vmul.f32 v4, v1;
	(pc) =	sbr.rel @p2 .LBB2_8-.Ltmp2, $4  }
0x65: {  	v3 =	vld [tilespmem:s10+$0xFFFFFFD0];
	v6 =	vmul.f32 v6, v1;
	[tilespmem:s29+$0xFFFFFFE0] =	vst v2  }
0x66: {  	v2 =	vld [tilespmem:s10+$0xFFFFFFE0];
	v9 =	vmul.f32 v9, v1;
	[tilespmem:s29+$0xFFFFFFF0] =	vst v4  }
0x67: {  	v7 =	vmul.f32 v7, v1;
	v4 =	vld [tilespmem:s10+$0xFFFFFFF0];
	[tilespmem:s29+$0xFFFFFF90] =	vst v6;
	s29 =	sadd.s32 $0x200, s29  }
0x68: {  	v6 =	vld [tilespmem:s10+$0xFFFFFF90];
	v8 =	vmul.f32 v8, v1;
	[tilespmem:s29+$0x0] =	vst v9;
	s10 =	sadd.s32 $0x200, s10  }
0x69: {  	[tilespmem:s29+$0xFFFFFFA0] =	vst v7;
	v5 =	vmul.f32 v5, v1;
	s26 =	sadd.s32 $0x1, s26  }
0x6a: {  	[tilespmem:s29+$0xFFFFFFB0] =	vst v8;
	v3 =	vmul.f32 v3, v1;
	p2 =	sne.s32 s26, $0x4  }
.Ltmp3:
0x6b: {  	[tilespmem:s29+$0xFFFFFFC0] =	vst v5;
	v2 =	vmul.f32 v2, v1;
	(pc) =	sbr.rel @p2 .LBB2_7-.Ltmp3, $4  }
0x6c: {  	[tilespmem:s29+$0xFFFFFFD0] =	vst v3;
	v3 =	vmul.f32 v4, v1  }
0x6d: {  	v1 =	vmul.f32 v6, v1;
	[tilespmem:s29+$0xFFFFFFE0] =	vst v2  }
0x6e: {  	[tilespmem:s29+$0xFFFFFFF0] =	vst v3  }
0x6f: {  	s0 =	sadd.s32 $0x80, s0;
	s31 =	sadd.s32 $0x80, s31;
	[tilespmem:s29+$0xFFFFFF90] =	vst v1  }
0x70: {  	s0 =	sand.u32 @!p1 $0x3FF000, s15;
	s7 =	simm.s32 @!p1 $0x200  }
0x71: {  	s10 =	simm.s32 @!p1 $0x400;
	s15 =	simm.s32 @!p1 $0x1000;
	s0 =	sadd.s32 @!p1 s0, s6  }
0x72: {  	[tilespmem:s15], [sflag:$0x2] =	stream.strided.gather @!p1 [hbm4b:s0+s7], $0x1000, s10, s7, $0x38;
	[tilespmem:$0x10280] =	vst v63  }
0x73: {  	s23 =	sadd.s32 s23, s17;
	s26 =	simm.s32 $0x9000  }
0x74: {  	[hbm4b:s23+s24] =	stream.strided.scatter [tilespmem:s26], [sflag:$0xA], $0x1000, s25, s24, $0x38;
	[tilespmem:$0x10280] =	vst v63  }
0x75: {  	_ =	swait.ge [sflag:s30], $0x1000  }
0x76: {  	[sflag:s30] =	ssyncset.done $0x0  }
0x77: {  	s0 =	simm.s32 @!p0 $0xB;
	[sflag:s30] =	ssyncadd.s32 $0xFFFFF000  }
0x78: {  	_ =	swait.ge @!p0 [sflag:s0], $0x1000  }
0x79: {  	[sflag:s0] =	ssyncset.done @!p0 $0x0  }
0x7a: {  	s31 =	sor.u32 $0x8, s8;
	[sflag:s0] =	ssyncadd.s32 @!p0 $0xFFFFF000  }
0x7b: {  	v0 =	vld [tilespmem:s31+$0x10000];
	_ =	sdelay $0x3  }
0x7c: {  	s29 =	simm.s32 $0x2070  }
0x7d: {  	s15 =	sadd.s32 s5, s31;
	s23 =	simm.s32 $0x0;
	s26 =	simm.s32 $0xA070;
	v0 =	vadd.f32 $1.000000000e+00, v0  }
.LBB2_11:
0x7e: {  	v4 =	vld [tilespmem:s29+$0x0]  }
0x7f: {  	v6 =	vld [tilespmem:s29+$0xFFFFFFA0]  }
0x80: {  	v1 =	vmov s23;
	v8 =	vld [tilespmem:s29+$0xFFFFFFB0]  }
0x81: {  	v5 =	vld [tilespmem:s29+$0xFFFFFFC0];
	v1 =	vperm.xlane v0, v1  }
0x82: {  	v3 =	vld [tilespmem:s29+$0xFFFFFFD0]  }
0x83: {  	v2 =	vld [tilespmem:s29+$0xFFFFFFE0];
	v9 =	vmul.f32 v4, v1  }
0x84: {  	v4 =	vld [tilespmem:s29+$0xFFFFFFF0];
	v7 =	vmul.f32 v6, v1  }
0x85: {  	s7 =	simm.s32 $0x0;
	s10 =	sadd.s32 $0x200, s29;
	s0 =	smov.u32 s26;
	v6 =	vld [tilespmem:s29+$0xFFFFFF90];
	v8 =	vmul.f32 v8, v1;
	[tilespmem:s26+$0x0] =	vst v9  }
.LBB2_12:
0x86: {  	v9 =	vld [tilespmem:s10+$0x0];
	s7 =	sadd.s32 $0x80, s7;
	[tilespmem:s0+$0xFFFFFFA0] =	vst v7;
	v5 =	vmul.f32 v5, v1  }
0x87: {  	v7 =	vld [tilespmem:s10+$0xFFFFFFA0];
	p2 =	slt.u32 s7, $0x380;
	[tilespmem:s0+$0xFFFFFFB0] =	vst v8;
	v3 =	vmul.f32 v3, v1  }
0x88: {  	v8 =	vld [tilespmem:s10+$0xFFFFFFB0];
	[tilespmem:s0+$0xFFFFFFC0] =	vst v5;
	v2 =	vmul.f32 v2, v1  }
.Ltmp4:
0x89: {  	v5 =	vld [tilespmem:s10+$0xFFFFFFC0];
	[tilespmem:s0+$0xFFFFFFD0] =	vst v3;
	v4 =	vmul.f32 v4, v1;
	(pc) =	sbr.rel @p2 .LBB2_12-.Ltmp4, $4  }
0x8a: {  	v3 =	vld [tilespmem:s10+$0xFFFFFFD0];
	v6 =	vmul.f32 v6, v1;
	[tilespmem:s0+$0xFFFFFFE0] =	vst v2  }
0x8b: {  	v2 =	vld [tilespmem:s10+$0xFFFFFFE0];
	v9 =	vmul.f32 v9, v1;
	[tilespmem:s0+$0xFFFFFFF0] =	vst v4  }
0x8c: {  	v7 =	vmul.f32 v7, v1;
	v4 =	vld [tilespmem:s10+$0xFFFFFFF0];
	[tilespmem:s0+$0xFFFFFF90] =	vst v6;
	s0 =	sadd.s32 $0x200, s0  }
0x8d: {  	v6 =	vld [tilespmem:s10+$0xFFFFFF90];
	v8 =	vmul.f32 v8, v1;
	[tilespmem:s0+$0x0] =	vst v9;
	s10 =	sadd.s32 $0x200, s10  }
0x8e: {  	[tilespmem:s0+$0xFFFFFFA0] =	vst v7;
	v5 =	vmul.f32 v5, v1;
	s23 =	sadd.s32 $0x1, s23  }
0x8f: {  	[tilespmem:s0+$0xFFFFFFB0] =	vst v8;
	v3 =	vmul.f32 v3, v1;
	p2 =	sne.s32 s23, $0x4  }
.Ltmp5:
0x90: {  	[tilespmem:s0+$0xFFFFFFC0] =	vst v5;
	v2 =	vmul.f32 v2, v1;
	(pc) =	sbr.rel @p2 .LBB2_11-.Ltmp5, $4  }
0x91: {  	[tilespmem:s0+$0xFFFFFFD0] =	vst v3;
	v3 =	vmul.f32 v4, v1  }
0x92: {  	v1 =	vmul.f32 v6, v1;
	[tilespmem:s0+$0xFFFFFFE0] =	vst v2  }
0x93: {  	[tilespmem:s0+$0xFFFFFFF0] =	vst v3  }
0x94: {  	s26 =	sadd.s32 $0x80, s26;
	s29 =	sadd.s32 $0x80, s29;
	[tilespmem:s0+$0xFFFFFF90] =	vst v1  }
0x95: {  	s0 =	sadd.s32 @!p1 s8, s18  }
0x96: {  	s7 =	simm.s32 @!p1 $0x200;
	s23 =	sshll.u32 @!p1 s0, $0x7  }
0x97: {  	s10 =	simm.s32 @!p1 $0x400;
	s26 =	simm.s32 @!p1 $0x2000;
	s0 =	sadd.s32 @!p1 s1, s23  }
0x98: {  	[tilespmem:s26], [sflag:$0x3] =	stream.strided.gather @!p1 [hbm4b:s0+s7], $0x1000, s10, s7, $0x38;
	[tilespmem:$0x10280] =	vst v63  }
0x99: {  	s10 =	sshll.u32 s15, $0x7  }
0x9a: {  	s15 =	simm.s32 $0xA000;
	s0 =	sadd.s32 s3, s10  }
0x9b: {  	[hbm4b:s0+s24] =	stream.strided.scatter [tilespmem:s15], [sflag:$0xB], $0x1000, s25, s24, $0x38;
	[tilespmem:$0x10280] =	vst v63  }
0x9c: {  	_ =	swait.ge [sflag:s2], $0x1000  }
0x9d: {  	[sflag:s2] =	ssyncset.done $0x0  }
0x9e: {  	s0 =	simm.s32 @!p0 $0xC;
	[sflag:s2] =	ssyncadd.s32 $0xFFFFF000  }
0x9f: {  	_ =	swait.ge @!p0 [sflag:s0], $0x1000  }
0xa0: {  	[sflag:s0] =	ssyncset.done @!p0 $0x0  }
0xa1: {  	s26 =	sor.u32 $0xC, s8;
	[sflag:s0] =	ssyncadd.s32 @!p0 $0xFFFFF000  }
0xa2: {  	v0 =	vld [tilespmem:s26+$0x10000];
	_ =	sdelay $0x3  }
0xa3: {  	s29 =	simm.s32 $0xB070  }
0xa4: {  	s31 =	simm.s32 $0x3070;
	s15 =	sadd.s32 s5, s26;
	s26 =	simm.s32 $0x0;
	v0 =	vadd.f32 $1.000000000e+00, v0  }
.LBB2_15:
0xa5: {  	v4 =	vld [tilespmem:s31+$0x0]  }
0xa6: {  	v6 =	vld [tilespmem:s31+$0xFFFFFFA0]  }
0xa7: {  	v1 =	vmov s26;
	v8 =	vld [tilespmem:s31+$0xFFFFFFB0]  }
0xa8: {  	v5 =	vld [tilespmem:s31+$0xFFFFFFC0];
	v1 =	vperm.xlane v0, v1  }
0xa9: {  	v3 =	vld [tilespmem:s31+$0xFFFFFFD0]  }
0xaa: {  	v2 =	vld [tilespmem:s31+$0xFFFFFFE0];
	v9 =	vmul.f32 v4, v1  }
0xab: {  	v4 =	vld [tilespmem:s31+$0xFFFFFFF0];
	v7 =	vmul.f32 v6, v1  }
0xac: {  	s7 =	simm.s32 $0x0;
	s10 =	sadd.s32 $0x200, s31;
	s0 =	smov.u32 s29;
	v6 =	vld [tilespmem:s31+$0xFFFFFF90];
	v8 =	vmul.f32 v8, v1;
	[tilespmem:s29+$0x0] =	vst v9  }
.LBB2_16:
0xad: {  	v9 =	vld [tilespmem:s10+$0x0];
	s7 =	sadd.s32 $0x80, s7;
	[tilespmem:s0+$0xFFFFFFA0] =	vst v7;
	v5 =	vmul.f32 v5, v1  }
0xae: {  	v7 =	vld [tilespmem:s10+$0xFFFFFFA0];
	p2 =	slt.u32 s7, $0x380;
	[tilespmem:s0+$0xFFFFFFB0] =	vst v8;
	v3 =	vmul.f32 v3, v1  }
0xaf: {  	v8 =	vld [tilespmem:s10+$0xFFFFFFB0];
	[tilespmem:s0+$0xFFFFFFC0] =	vst v5;
	v2 =	vmul.f32 v2, v1  }
.Ltmp6:
0xb0: {  	v5 =	vld [tilespmem:s10+$0xFFFFFFC0];
	[tilespmem:s0+$0xFFFFFFD0] =	vst v3;
	v4 =	vmul.f32 v4, v1;
	(pc) =	sbr.rel @p2 .LBB2_16-.Ltmp6, $4  }
0xb1: {  	v3 =	vld [tilespmem:s10+$0xFFFFFFD0];
	v6 =	vmul.f32 v6, v1;
	[tilespmem:s0+$0xFFFFFFE0] =	vst v2  }
0xb2: {  	v2 =	vld [tilespmem:s10+$0xFFFFFFE0];
	v9 =	vmul.f32 v9, v1;
	[tilespmem:s0+$0xFFFFFFF0] =	vst v4  }
0xb3: {  	v7 =	vmul.f32 v7, v1;
	v4 =	vld [tilespmem:s10+$0xFFFFFFF0];
	[tilespmem:s0+$0xFFFFFF90] =	vst v6;
	s0 =	sadd.s32 $0x200, s0  }
0xb4: {  	v6 =	vld [tilespmem:s10+$0xFFFFFF90];
	v8 =	vmul.f32 v8, v1;
	[tilespmem:s0+$0x0] =	vst v9;
	s10 =	sadd.s32 $0x200, s10  }
0xb5: {  	[tilespmem:s0+$0xFFFFFFA0] =	vst v7;
	v5 =	vmul.f32 v5, v1;
	s26 =	sadd.s32 $0x1, s26  }
0xb6: {  	[tilespmem:s0+$0xFFFFFFB0] =	vst v8;
	v3 =	vmul.f32 v3, v1;
	p2 =	sne.s32 s26, $0x4  }
.Ltmp7:
0xb7: {  	[tilespmem:s0+$0xFFFFFFC0] =	vst v5;
	v2 =	vmul.f32 v2, v1;
	(pc) =	sbr.rel @p2 .LBB2_15-.Ltmp7, $4  }
0xb8: {  	[tilespmem:s0+$0xFFFFFFD0] =	vst v3;
	v3 =	vmul.f32 v4, v1  }
0xb9: {  	v1 =	vmul.f32 v6, v1;
	[tilespmem:s0+$0xFFFFFFE0] =	vst v2  }
0xba: {  	[tilespmem:s0+$0xFFFFFFF0] =	vst v3  }
0xbb: {  	s29 =	sadd.s32 $0x80, s29;
	s31 =	sadd.s32 $0x80, s31;
	[tilespmem:s0+$0xFFFFFF90] =	vst v1  }
0xbc: {  	s0 =	sand.u32 @!p1 $0x3FF400, s23;
	s7 =	simm.s32 @!p1 $0x200;
	s10 =	simm.s32 @!p1 $0x400  }
0xbd: {  	s23 =	simm.s32 @!p1 $0x3000;
	s26 =	sshll.u32 s15, $0x7;
	s0 =	sadd.s32 @!p1 s0, s6  }
0xbe: {  	[tilespmem:s23], [sflag:$0x4] =	stream.strided.gather @!p1 [hbm4b:s0+s7], $0x1000, s10, s7, $0x38;
	[tilespmem:$0x10280] =	vst v63  }
0xbf: {  	s0 =	sand.u32 $0x1FF400, s26  }
0xc0: {  	s29 =	simm.s32 $0xB000;
	s0 =	sadd.s32 s0, s17  }
0xc1: {  	[hbm4b:s0+s24] =	stream.strided.scatter [tilespmem:s29], [sflag:$0xC], $0x1000, s25, s24, $0x38;
	[tilespmem:$0x10280] =	vst v63  }
0xc2: {  	_ =	swait.ge [sflag:s4], $0x1000  }
0xc3: {  	[sflag:s4] =	ssyncset.done $0x0  }
0xc4: {  	s0 =	simm.s32 @!p0 $0xD;
	[sflag:s4] =	ssyncadd.s32 $0xFFFFF000  }
0xc5: {  	_ =	swait.ge @!p0 [sflag:s0], $0x1000  }
0xc6: {  	[sflag:s0] =	ssyncset.done @!p0 $0x0  }
0xc7: {  	s31 =	sor.u32 $0x10, s8;
	[sflag:s0] =	ssyncadd.s32 @!p0 $0xFFFFF000  }
0xc8: {  	v0 =	vld [tilespmem:s31+$0x10000];
	_ =	sdelay $0x4  }
0xc9: {  	s15 =	sadd.s32 s5, s31;
	s23 =	simm.s32 $0x0;
	s26 =	simm.s32 $0x0;
	v0 =	vadd.f32 $1.000000000e+00, v0  }
.LBB2_19:
0xca: {  	s29 =	sshra.s32 s23, $0x2  }
0xcb: {  	v5 =	vld [tilespmem:s29+$0x4070]  }
0xcc: {  	v7 =	vld [tilespmem:s29+$0x4000]  }
0xcd: {  	v1 =	vmov s26;
	v6 =	vld [tilespmem:s29+$0x4010]  }
0xce: {  	v3 =	vld [tilespmem:s29+$0x4020];
	v1 =	vperm.xlane v0, v1  }
0xcf: {  	v4 =	vld [tilespmem:s29+$0x4030]  }
0xd0: {  	v2 =	vld [tilespmem:s29+$0x4040];
	v8 =	vmul.f32 v5, v1  }
0xd1: {  	s0 =	simm.s32 $0x0;
	s7 =	sadd.s32 $0x800, s23;
	v7 =	vmul.f32 v7, v1;
	v5 =	vld [tilespmem:s29+$0x4050]  }
.LBB2_20:
0xd2: {  	s10 =	sshra.s32 s7, $0x2;
	s0 =	sadd.s32 $0x80, s0;
	v6 =	vmul.f32 v6, v1;
	v9 =	vld [tilespmem:s29+$0x4060];
	[tilespmem:s29+$0xC070] =	vst v8  }
0xd3: {  	v8 =	vld [tilespmem:s10+$0x4070];
	p2 =	slt.u32 s0, $0x380;
	[tilespmem:s29+$0xC000] =	vst v7;
	v3 =	vmul.f32 v3, v1  }
0xd4: {  	v7 =	vld [tilespmem:s10+$0x4000];
	[tilespmem:s29+$0xC010] =	vst v6;
	v4 =	vmul.f32 v4, v1  }
.Ltmp8:
0xd5: {  	v6 =	vld [tilespmem:s10+$0x4010];
	[tilespmem:s29+$0xC020] =	vst v3;
	v2 =	vmul.f32 v2, v1;
	(pc) =	sbr.rel @p2 .LBB2_20-.Ltmp8, $4  }
0xd6: {  	v3 =	vld [tilespmem:s10+$0x4020];
	[tilespmem:s29+$0xC030] =	vst v4;
	v5 =	vmul.f32 v5, v1  }
0xd7: {  	v4 =	vld [tilespmem:s10+$0x4030];
	[tilespmem:s29+$0xC040] =	vst v2;
	v9 =	vmul.f32 v9, v1  }
0xd8: {  	v2 =	vld [tilespmem:s10+$0x4040];
	v8 =	vmul.f32 v8, v1;
	[tilespmem:s29+$0xC050] =	vst v5  }
0xd9: {  	s7 =	sadd.s32 $0x800, s7;
	v7 =	vmul.f32 v7, v1;
	v5 =	vld [tilespmem:s10+$0x4050];
	[tilespmem:s29+$0xC060] =	vst v9;
	s29 =	smov.u32 s10  }
0xda: {  	v6 =	vmul.f32 v6, v1;
	v9 =	vld [tilespmem:s29+$0x4060];
	[tilespmem:s29+$0xC070] =	vst v8  }
0xdb: {  	s26 =	sadd.s32 $0x1, s26;
	[tilespmem:s29+$0xC000] =	vst v7;
	v3 =	vmul.f32 v3, v1  }
0xdc: {  	p2 =	sne.s32 s26, $0x4;
	[tilespmem:s29+$0xC010] =	vst v6;
	v4 =	vmul.f32 v4, v1  }
.Ltmp9:
0xdd: {  	[tilespmem:s29+$0xC020] =	vst v3;
	v2 =	vmul.f32 v2, v1;
	(pc) =	sbr.rel @p2 .LBB2_19-.Ltmp9, $4  }
0xde: {  	[tilespmem:s29+$0xC030] =	vst v4;
	v3 =	vmul.f32 v5, v1  }
0xdf: {  	[tilespmem:s29+$0xC040] =	vst v2;
	v1 =	vmul.f32 v9, v1  }
0xe0: {  	[tilespmem:s29+$0xC050] =	vst v3  }
0xe1: {  	s23 =	sadd.s32 $0x200, s23;
	[tilespmem:s29+$0xC060] =	vst v1  }
0xe2: {  	s0 =	sadd.s32 @!p1 s8, s19  }
0xe3: {  	s7 =	simm.s32 @!p1 $0x200;
	s10 =	simm.s32 @!p1 $0x400;
	s23 =	sshll.u32 @!p1 s0, $0x7  }
0xe4: {  	s26 =	simm.s32 @!p1 $0x4000;
	s15 =	sshll.u32 s15, $0x7;
	s0 =	sadd.s32 @!p1 s1, s23  }
0xe5: {  	[tilespmem:s26], [sflag:$0x5] =	stream.strided.gather @!p1 [hbm4b:s0+s7], $0x1000, s10, s7, $0x38;
	[tilespmem:$0x10280] =	vst v63  }
0xe6: {  	s0 =	sadd.s32 s3, s15;
	s26 =	simm.s32 $0xC000  }
0xe7: {  	[hbm4b:s0+s24] =	stream.strided.scatter [tilespmem:s26], [sflag:$0xD], $0x1000, s25, s24, $0x38;
	[tilespmem:$0x10280] =	vst v63  }
0xe8: {  	_ =	swait.ge [sflag:s9], $0x1000  }
0xe9: {  	[sflag:s9] =	ssyncset.done $0x0  }
0xea: {  	s0 =	simm.s32 @!p0 $0xE;
	[sflag:s9] =	ssyncadd.s32 $0xFFFFF000  }
0xeb: {  	_ =	swait.ge @!p0 [sflag:s0], $0x1000  }
0xec: {  	[sflag:s0] =	ssyncset.done @!p0 $0x0  }
0xed: {  	s31 =	sor.u32 $0x14, s8;
	[sflag:s0] =	ssyncadd.s32 @!p0 $0xFFFFF000  }
0xee: {  	v0 =	vld [tilespmem:s31+$0x10000];
	_ =	sdelay $0x4  }
0xef: {  	s29 =	simm.s32 $0x0;
	s15 =	sadd.s32 s5, s31;
	s26 =	simm.s32 $0x0;
	v0 =	vadd.f32 $1.000000000e+00, v0  }
.LBB2_23:
0xf0: {  	s31 =	sshra.s32 s26, $0x2  }
0xf1: {  	v5 =	vld [tilespmem:s31+$0x5070]  }
0xf2: {  	v7 =	vld [tilespmem:s31+$0x5000]  }
0xf3: {  	v1 =	vmov s29;
	v6 =	vld [tilespmem:s31+$0x5010]  }
0xf4: {  	v3 =	vld [tilespmem:s31+$0x5020];
	v1 =	vperm.xlane v0, v1  }
0xf5: {  	v4 =	vld [tilespmem:s31+$0x5030]  }
0xf6: {  	v2 =	vld [tilespmem:s31+$0x5040];
	v8 =	vmul.f32 v5, v1  }
0xf7: {  	s0 =	simm.s32 $0x0;
	s7 =	sadd.s32 $0x800, s26;
	v7 =	vmul.f32 v7, v1;
	v5 =	vld [tilespmem:s31+$0x5050]  }
.LBB2_24:
0xf8: {  	s10 =	sshra.s32 s7, $0x2;
	s0 =	sadd.s32 $0x80, s0;
	v6 =	vmul.f32 v6, v1;
	v9 =	vld [tilespmem:s31+$0x5060];
	[tilespmem:s31+$0xD070] =	vst v8  }
0xf9: {  	v8 =	vld [tilespmem:s10+$0x5070];
	p2 =	slt.u32 s0, $0x380;
	[tilespmem:s31+$0xD000] =	vst v7;
	v3 =	vmul.f32 v3, v1  }
0xfa: {  	v7 =	vld [tilespmem:s10+$0x5000];
	[tilespmem:s31+$0xD010] =	vst v6;
	v4 =	vmul.f32 v4, v1  }
.Ltmp10:
0xfb: {  	v6 =	vld [tilespmem:s10+$0x5010];
	[tilespmem:s31+$0xD020] =	vst v3;
	v2 =	vmul.f32 v2, v1;
	(pc) =	sbr.rel @p2 .LBB2_24-.Ltmp10, $4  }
0xfc: {  	v3 =	vld [tilespmem:s10+$0x5020];
	[tilespmem:s31+$0xD030] =	vst v4;
	v5 =	vmul.f32 v5, v1  }
0xfd: {  	v4 =	vld [tilespmem:s10+$0x5030];
	[tilespmem:s31+$0xD040] =	vst v2;
	v9 =	vmul.f32 v9, v1  }
0xfe: {  	v2 =	vld [tilespmem:s10+$0x5040];
	v8 =	vmul.f32 v8, v1;
	[tilespmem:s31+$0xD050] =	vst v5  }
0xff: {  	s7 =	sadd.s32 $0x800, s7;
	v7 =	vmul.f32 v7, v1;
	v5 =	vld [tilespmem:s10+$0x5050];
	[tilespmem:s31+$0xD060] =	vst v9;
	s31 =	smov.u32 s10  }
0x100: {  	v6 =	vmul.f32 v6, v1;
	v9 =	vld [tilespmem:s31+$0x5060];
	[tilespmem:s31+$0xD070] =	vst v8  }
0x101: {  	s29 =	sadd.s32 $0x1, s29;
	[tilespmem:s31+$0xD000] =	vst v7;
	v3 =	vmul.f32 v3, v1  }
0x102: {  	p2 =	sne.s32 s29, $0x4;
	[tilespmem:s31+$0xD010] =	vst v6;
	v4 =	vmul.f32 v4, v1  }
.Ltmp11:
0x103: {  	[tilespmem:s31+$0xD020] =	vst v3;
	v2 =	vmul.f32 v2, v1;
	(pc) =	sbr.rel @p2 .LBB2_23-.Ltmp11, $4  }
0x104: {  	[tilespmem:s31+$0xD030] =	vst v4;
	v3 =	vmul.f32 v5, v1  }
0x105: {  	[tilespmem:s31+$0xD040] =	vst v2;
	v1 =	vmul.f32 v9, v1  }
0x106: {  	[tilespmem:s31+$0xD050] =	vst v3  }
0x107: {  	s26 =	sadd.s32 $0x200, s26;
	[tilespmem:s31+$0xD060] =	vst v1  }
0x108: {  	s0 =	sand.u32 @!p1 $0x3FF800, s23;
	s7 =	simm.s32 @!p1 $0x200;
	s10 =	simm.s32 @!p1 $0x400  }
0x109: {  	s23 =	simm.s32 @!p1 $0x5000;
	s26 =	sshll.u32 s15, $0x7;
	s0 =	sadd.s32 @!p1 s0, s6  }
0x10a: {  	[tilespmem:s23], [sflag:$0x6] =	stream.strided.gather @!p1 [hbm4b:s0+s7], $0x1000, s10, s7, $0x38;
	[tilespmem:$0x10280] =	vst v63  }
0x10b: {  	s0 =	sand.u32 $0x1FF800, s26  }
0x10c: {  	s29 =	simm.s32 $0xD000;
	s0 =	sadd.s32 s0, s17  }
0x10d: {  	[hbm4b:s0+s24] =	stream.strided.scatter [tilespmem:s29], [sflag:$0xE], $0x1000, s25, s24, $0x38;
	[tilespmem:$0x10280] =	vst v63  }
0x10e: {  	_ =	swait.ge [sflag:s11], $0x1000  }
0x10f: {  	[sflag:s11] =	ssyncset.done $0x0  }
0x110: {  	s0 =	simm.s32 @!p0 $0xF;
	[sflag:s11] =	ssyncadd.s32 $0xFFFFF000  }
0x111: {  	_ =	swait.ge @!p0 [sflag:s0], $0x1000  }
0x112: {  	[sflag:s0] =	ssyncset.done @!p0 $0x0  }
0x113: {  	s31 =	sor.u32 $0x18, s8;
	[sflag:s0] =	ssyncadd.s32 @!p0 $0xFFFFF000  }
0x114: {  	v0 =	vld [tilespmem:s31+$0x10000];
	_ =	sdelay $0x4  }
0x115: {  	s15 =	sadd.s32 s5, s31;
	s23 =	simm.s32 $0x0;
	s26 =	simm.s32 $0x0;
	v0 =	vadd.f32 $1.000000000e+00, v0  }
.LBB2_27:
0x116: {  	s29 =	sshra.s32 s23, $0x2  }
0x117: {  	v5 =	vld [tilespmem:s29+$0x6070]  }
0x118: {  	v7 =	vld [tilespmem:s29+$0x6000]  }
0x119: {  	v1 =	vmov s26;
	v6 =	vld [tilespmem:s29+$0x6010]  }
0x11a: {  	v3 =	vld [tilespmem:s29+$0x6020];
	v1 =	vperm.xlane v0, v1  }
0x11b: {  	v4 =	vld [tilespmem:s29+$0x6030]  }
0x11c: {  	v2 =	vld [tilespmem:s29+$0x6040];
	v8 =	vmul.f32 v5, v1  }
0x11d: {  	s0 =	simm.s32 $0x0;
	s7 =	sadd.s32 $0x800, s23;
	v7 =	vmul.f32 v7, v1;
	v5 =	vld [tilespmem:s29+$0x6050]  }
.LBB2_28:
0x11e: {  	s10 =	sshra.s32 s7, $0x2;
	s0 =	sadd.s32 $0x80, s0;
	v6 =	vmul.f32 v6, v1;
	v9 =	vld [tilespmem:s29+$0x6060];
	[tilespmem:s29+$0xE070] =	vst v8  }
0x11f: {  	v8 =	vld [tilespmem:s10+$0x6070];
	p2 =	slt.u32 s0, $0x380;
	[tilespmem:s29+$0xE000] =	vst v7;
	v3 =	vmul.f32 v3, v1  }
0x120: {  	v7 =	vld [tilespmem:s10+$0x6000];
	[tilespmem:s29+$0xE010] =	vst v6;
	v4 =	vmul.f32 v4, v1  }
.Ltmp12:
0x121: {  	v6 =	vld [tilespmem:s10+$0x6010];
	[tilespmem:s29+$0xE020] =	vst v3;
	v2 =	vmul.f32 v2, v1;
	(pc) =	sbr.rel @p2 .LBB2_28-.Ltmp12, $4  }
0x122: {  	v3 =	vld [tilespmem:s10+$0x6020];
	[tilespmem:s29+$0xE030] =	vst v4;
	v5 =	vmul.f32 v5, v1  }
0x123: {  	v4 =	vld [tilespmem:s10+$0x6030];
	[tilespmem:s29+$0xE040] =	vst v2;
	v9 =	vmul.f32 v9, v1  }
0x124: {  	v2 =	vld [tilespmem:s10+$0x6040];
	v8 =	vmul.f32 v8, v1;
	[tilespmem:s29+$0xE050] =	vst v5  }
0x125: {  	s7 =	sadd.s32 $0x800, s7;
	v7 =	vmul.f32 v7, v1;
	v5 =	vld [tilespmem:s10+$0x6050];
	[tilespmem:s29+$0xE060] =	vst v9;
	s29 =	smov.u32 s10  }
0x126: {  	v6 =	vmul.f32 v6, v1;
	v9 =	vld [tilespmem:s29+$0x6060];
	[tilespmem:s29+$0xE070] =	vst v8  }
0x127: {  	s26 =	sadd.s32 $0x1, s26;
	[tilespmem:s29+$0xE000] =	vst v7;
	v3 =	vmul.f32 v3, v1  }
0x128: {  	p2 =	sne.s32 s26, $0x4;
	[tilespmem:s29+$0xE010] =	vst v6;
	v4 =	vmul.f32 v4, v1  }
.Ltmp13:
0x129: {  	[tilespmem:s29+$0xE020] =	vst v3;
	v2 =	vmul.f32 v2, v1;
	(pc) =	sbr.rel @p2 .LBB2_27-.Ltmp13, $4  }
0x12a: {  	[tilespmem:s29+$0xE030] =	vst v4;
	v3 =	vmul.f32 v5, v1  }
0x12b: {  	[tilespmem:s29+$0xE040] =	vst v2;
	v1 =	vmul.f32 v9, v1  }
0x12c: {  	[tilespmem:s29+$0xE050] =	vst v3  }
0x12d: {  	s23 =	sadd.s32 $0x200, s23;
	[tilespmem:s29+$0xE060] =	vst v1  }
0x12e: {  	s0 =	sadd.s32 @!p1 s8, s20  }
0x12f: {  	s7 =	simm.s32 @!p1 $0x200;
	s10 =	simm.s32 @!p1 $0x400;
	s23 =	sshll.u32 @!p1 s0, $0x7  }
0x130: {  	s26 =	simm.s32 @!p1 $0x6000;
	s29 =	sshll.u32 s15, $0x7;
	s0 =	sadd.s32 @!p1 s1, s23  }
0x131: {  	[tilespmem:s26], [sflag:$0x7] =	stream.strided.gather @!p1 [hbm4b:s0+s7], $0x1000, s10, s7, $0x38;
	[tilespmem:$0x10280] =	vst v63  }
0x132: {  	s0 =	sadd.s32 s3, s29  }
0x133: {  	[hbm4b:s0+s24] =	stream.strided.scatter [tilespmem:s12], [sflag:$0xF], $0x1000, s25, s24, $0x38;
	[tilespmem:$0x10280] =	vst v63  }
0x134: {  	_ =	swait.ge [sflag:s13], $0x1000  }
0x135: {  	[sflag:s13] =	ssyncset.done $0x0  }
0x136: {  	s0 =	simm.s32 @!p0 $0x10;
	[sflag:s13] =	ssyncadd.s32 $0xFFFFF000  }
0x137: {  	_ =	swait.ge @!p0 [sflag:s0], $0x1000  }
0x138: {  	[sflag:s0] =	ssyncset.done @!p0 $0x0  }
0x139: {  	s31 =	sor.u32 $0x1C, s8;
	[sflag:s0] =	ssyncadd.s32 @!p0 $0xFFFFF000  }
0x13a: {  	v0 =	vld [tilespmem:s31+$0x10000];
	_ =	sdelay $0x4  }
0x13b: {  	s15 =	simm.s32 $0x0;
	s8 =	sadd.s32 s5, s31;
	s26 =	simm.s32 $0x0;
	v0 =	vadd.f32 $1.000000000e+00, v0  }
.LBB2_31:
0x13c: {  	s29 =	sshra.s32 s15, $0x2  }
0x13d: {  	v5 =	vld [tilespmem:s29+$0x7070]  }
0x13e: {  	v7 =	vld [tilespmem:s29+$0x7000]  }
0x13f: {  	v1 =	vmov s26;
	v6 =	vld [tilespmem:s29+$0x7010]  }
0x140: {  	v3 =	vld [tilespmem:s29+$0x7020];
	v1 =	vperm.xlane v0, v1  }
0x141: {  	v4 =	vld [tilespmem:s29+$0x7030]  }
0x142: {  	v2 =	vld [tilespmem:s29+$0x7040];
	v8 =	vmul.f32 v5, v1  }
0x143: {  	s0 =	simm.s32 $0x0;
	s7 =	sadd.s32 $0x800, s15;
	v7 =	vmul.f32 v7, v1;
	v5 =	vld [tilespmem:s29+$0x7050]  }
.LBB2_32:
0x144: {  	s10 =	sshra.s32 s7, $0x2;
	s0 =	sadd.s32 $0x80, s0;
	v6 =	vmul.f32 v6, v1;
	v9 =	vld [tilespmem:s29+$0x7060];
	[tilespmem:s29+$0xF070] =	vst v8  }
0x145: {  	v8 =	vld [tilespmem:s10+$0x7070];
	p0 =	slt.u32 s0, $0x380;
	[tilespmem:s29+$0xF000] =	vst v7;
	v3 =	vmul.f32 v3, v1  }
0x146: {  	v7 =	vld [tilespmem:s10+$0x7000];
	[tilespmem:s29+$0xF010] =	vst v6;
	v4 =	vmul.f32 v4, v1  }
.Ltmp14:
0x147: {  	v6 =	vld [tilespmem:s10+$0x7010];
	[tilespmem:s29+$0xF020] =	vst v3;
	v2 =	vmul.f32 v2, v1;
	(pc) =	sbr.rel @p0 .LBB2_32-.Ltmp14, $4  }
0x148: {  	v3 =	vld [tilespmem:s10+$0x7020];
	[tilespmem:s29+$0xF030] =	vst v4;
	v5 =	vmul.f32 v5, v1  }
0x149: {  	v4 =	vld [tilespmem:s10+$0x7030];
	[tilespmem:s29+$0xF040] =	vst v2;
	v9 =	vmul.f32 v9, v1  }
0x14a: {  	v2 =	vld [tilespmem:s10+$0x7040];
	v8 =	vmul.f32 v8, v1;
	[tilespmem:s29+$0xF050] =	vst v5  }
0x14b: {  	s7 =	sadd.s32 $0x800, s7;
	v7 =	vmul.f32 v7, v1;
	v5 =	vld [tilespmem:s10+$0x7050];
	[tilespmem:s29+$0xF060] =	vst v9;
	s29 =	smov.u32 s10  }
0x14c: {  	v6 =	vmul.f32 v6, v1;
	v9 =	vld [tilespmem:s29+$0x7060];
	[tilespmem:s29+$0xF070] =	vst v8  }
0x14d: {  	s26 =	sadd.s32 $0x1, s26;
	[tilespmem:s29+$0xF000] =	vst v7;
	v3 =	vmul.f32 v3, v1  }
0x14e: {  	p0 =	sne.s32 s26, $0x4;
	[tilespmem:s29+$0xF010] =	vst v6;
	v4 =	vmul.f32 v4, v1  }
.Ltmp15:
0x14f: {  	[tilespmem:s29+$0xF020] =	vst v3;
	v2 =	vmul.f32 v2, v1;
	(pc) =	sbr.rel @p0 .LBB2_31-.Ltmp15, $4  }
0x150: {  	[tilespmem:s29+$0xF030] =	vst v4;
	v3 =	vmul.f32 v5, v1  }
0x151: {  	[tilespmem:s29+$0xF040] =	vst v2;
	v1 =	vmul.f32 v9, v1  }
0x152: {  	[tilespmem:s29+$0xF050] =	vst v3  }
0x153: {  	s15 =	sadd.s32 $0x200, s15;
	[tilespmem:s29+$0xF060] =	vst v1  }
0x154: {  	s0 =	sand.u32 @!p1 $0x3FFC00, s23;
	s7 =	simm.s32 @!p1 $0x200;
	s21 =	sadd.s32 $0x1, s21  }
0x155: {  	s10 =	simm.s32 @!p1 $0x400;
	s15 =	simm.s32 @!p1 $0x7000;
	p0 =	sne.s32 s21, $0x10  }
.Ltmp16:
0x156: {  	s31 =	sshll.u32 s8, $0x7;
	s0 =	sadd.s32 @!p1 s0, s6;
	(pc) =	sbr.rel @p0 .LBB2_2-.Ltmp16, $4  }
0x157: {  	[tilespmem:s15], [sflag:$0x8] =	stream.strided.gather @!p1 [hbm4b:s0+s7], $0x1000, s10, s7, $0x38;
	[tilespmem:$0x10280] =	vst v63  }
0x158: {  	s0 =	sand.u32 $0x1FFC00, s31  }
0x159: {  	s0 =	sadd.s32 s0, s17  }
0x15a: {  	[hbm4b:s0+s24] =	stream.strided.scatter [tilespmem:s14], [sflag:$0x10], $0x1000, s25, s24, $0x38;
	[tilespmem:$0x10280] =	vst v63  }
0x15b: {  	s0 =	simm.s32 $0x9  }
0x15c: {  	_ =	swait.ge [sflag:s0], $0x1000  }
0x15d: {  	[sflag:s0] =	ssyncset.done $0x0  }
0x15e: {  	s10 =	simm.s32 $0xA;
	[sflag:s0] =	ssyncadd.s32 $0xFFFFF000  }
0x15f: {  	_ =	swait.ge [sflag:s10], $0x1000  }
0x160: {  	[sflag:s10] =	ssyncset.done $0x0  }
0x161: {  	s15 =	simm.s32 $0xB;
	[sflag:s10] =	ssyncadd.s32 $0xFFFFF000  }
0x162: {  	_ =	swait.ge [sflag:s15], $0x1000  }
0x163: {  	[sflag:s15] =	ssyncset.done $0x0  }
0x164: {  	s21 =	simm.s32 $0xC;
	[sflag:s15] =	ssyncadd.s32 $0xFFFFF000  }
0x165: {  	_ =	swait.ge [sflag:s21], $0x1000  }
0x166: {  	[sflag:s21] =	ssyncset.done $0x0  }
0x167: {  	s23 =	simm.s32 $0xD;
	[sflag:s21] =	ssyncadd.s32 $0xFFFFF000  }
0x168: {  	_ =	swait.ge [sflag:s23], $0x1000  }
0x169: {  	[sflag:s23] =	ssyncset.done $0x0  }
0x16a: {  	s26 =	simm.s32 $0xE;
	[sflag:s23] =	ssyncadd.s32 $0xFFFFF000  }
0x16b: {  	_ =	swait.ge [sflag:s26], $0x1000  }
0x16c: {  	[sflag:s26] =	ssyncset.done $0x0  }
0x16d: {  	s29 =	simm.s32 $0xF;
	[sflag:s26] =	ssyncadd.s32 $0xFFFFF000  }
0x16e: {  	_ =	swait.ge [sflag:s29], $0x1000  }
0x16f: {  	[sflag:s29] =	ssyncset.done $0x0  }
0x170: {  	s7 =	simm.s32 $0x10;
	[sflag:s29] =	ssyncadd.s32 $0xFFFFF000  }
0x171: {  	_ =	swait.ge [sflag:s7], $0x1000  }
0x172: {  	s8 =	rddreg [dreg:$0xe]  }
0x173: {  	s31 =	rddreg [dreg:$0xd];
	s8 =	sadd.s32 $0x1, s8  }
0x174: {  	p0 =	sne.s32 s8, s31  }
.Ltmp17:
0x175: {  	_ = 	snop;
	(pc) =	sbr.rel @p0 .LBB2_1-.Ltmp17, $3  }
0x176: {  	_ =	sdelay $0x1  }
0x177: {  	[sflag:s7] =	ssyncset.done $0x0  }
0x178: {  	[sflag:s7] =	ssyncadd.s32 $0xFFFFF000  }
0x179: {  	_ =	sfence.sel $0x180000  }
0x17a: {  	[bflag:$0x0] =	sbarrier.arrive $0xFFFF  }
0x17b: {  	_ =	strace $0x90000047  }
0x17c: {  	s0 =	stileid.u32;
	[bflag:$0x2] =	sbarrier.arrive $0xFFFF  }
0x17d: {  	p0 =	sne.s32 s0, $0x0;
	s0 =	rddreg [dreg:$0x3]  }
0x17e: {  	s0 =	sadd.s32 @!p0 $0x100000, s0  }
0x17f: {  	[sflag:s0] =	ssyncadd.tile.s32 @!p0 $0x1;
	_ =	shalt  }
.Lfunc_end2:
_tile_overlayer_lowered:
.L_overlay_start_2:
0x180: {  	(tag) =	ssettag $0x2  }
0x181: {  	s0 =	rddreg [dreg:$0x0];
	s2 =	stileid.u32  }
0x182: {  	s1 =	rddreg [dreg:$0x1];
	p0 =	sne.s32 s2, $0x0  }
0x183: {  	s3 =	rddreg [dreg:$0x2];
	[bflag:$0x3] =	sbarrier.arrive $0xFFFF;
	s2 =	simm.s32 @!p0 $0x1C11  }
0x184: {  	[timem:s3], [sflag:s2] =	dma.local @!p0 [hbm:s0], s1  }
0x185: {  	s0 =	simm.s32 @!p0 $0x11  }
0x186: {  	_ =	swait.ge @!p0 [sflag:s0], s1  }
0x187: {  	s1 =	ssub.s32 @!p0 $0x0, s1;
	[sflag:s0] =	ssyncset.done @!p0 $0x0  }
0x188: {  	[sflag:s0] =	ssyncadd.s32 @!p0 s1  }
0x189: {  	[bflag:$0x3] =	sbarrier.arrive $0xFFFF  }
0x18a: {  	_ =	shalt  }

</sc_bundles>
